<compile_context>
chip_gen: v7x
topology: tpu7x:2x2x1
jax: 0.10.2.dev20260603
libtpu: 0.0.44.dev20260713+nightly
codegen_flags: <defaults>
</compile_context>

<pallas_src>
import functools

import jax
import jax.numpy as jnp
from jax import lax
from jax.experimental import pallas as pl
from jax.experimental.pallas import tpu as pltpu
from jax.experimental.pallas import tpu_sc as plsc

EMB = 32
OUT = 128
BATCH = 16384
SEQ = 200
VOCAB = 1000000
RBLK = 65536
NRBLK = -(-VOCAB // RBLK)
VOCAB_PAD = NRBLK * RBLK

NC = 2
NS = 16
NW = NC * NS
ROWS_W = BATCH // NW
IDX_W = ROWS_W * SEQ
CHUNK = 800
RPC = CHUNK // SEQ
NCH = IDX_W // CHUNK
NBUF = 4


def _tc_repack_table(tT):

    def body(t_ref, o_ref):
        x = t_ref[...]
        q = RBLK // 4
        stacked = jnp.concatenate(
            [x[:, j * q:(j + 1) * q] for j in range(4)], axis=0)
        o_ref[...] = jnp.transpose(stacked)

    return pl.pallas_call(
        body,
        out_shape=jax.ShapeDtypeStruct((VOCAB_PAD // 4, 128), jnp.float32),
        grid=(NRBLK,),
        in_specs=[pl.BlockSpec((EMB, RBLK), lambda i: (0, i))],
        out_specs=pl.BlockSpec((RBLK // 4, 128), lambda i: (i, 0)),
    )(tT)


def _sc_pool_sums(x4, seg4, zeros, table):
    mesh = plsc.VectorSubcoreMesh(core_axis_name="c", subcore_axis_name="s")

    scratch = (
        [pltpu.VMEM((CHUNK,), jnp.int32) for _ in range(NBUF)]
        + [pltpu.VMEM((CHUNK, EMB), jnp.float32) for _ in range(NBUF)]
        + [pltpu.VMEM((CHUNK,), jnp.int32)]
        + [pltpu.VMEM_SHARED((NS * ROWS_W, EMB), jnp.float32)]
        + [pltpu.SemaphoreType.DMA for _ in range(3 * NBUF)]
    )

    @functools.partial(
        pl.kernel,
        out_type=jax.ShapeDtypeStruct((BATCH, EMB), jnp.float32),
        mesh=mesh,
        scratch_types=scratch,
        compiler_params=pltpu.CompilerParams(use_tc_tiling_on_sc=False),
    )
    def k(x_hbm, seg_hbm, z_hbm, table_hbm, out_hbm, *sc):
        idx_v = sc[0:NBUF]
        rows_v = sc[NBUF:2 * NBUF]
        seg_v = sc[2 * NBUF]
        acc_sh = sc[2 * NBUF + 1]
        isem = sc[2 * NBUF + 2:2 * NBUF + 2 + NBUF]
        gsem = sc[2 * NBUF + 2 + NBUF:2 * NBUF + 2 + 2 * NBUF]
        ssem = sc[2 * NBUF + 2 + 2 * NBUF:2 * NBUF + 2 + 3 * NBUF]
        c = lax.axis_index("c")
        s = lax.axis_index("s")
        wid = c * NS + s
        base = s * ROWS_W

        def sctr_dst(t, j):
            return acc_sh.at[pl.ds(base + (t + j) * RPC, RPC)].at[seg_v]

        pltpu.sync_copy(z_hbm, acc_sh.at[pl.ds(base, ROWS_W)])
        pltpu.sync_copy(seg_hbm, seg_v)

        xbase = wid * IDX_W

        for j in range(NBUF):
            pltpu.async_copy(
                x_hbm.at[pl.ds(xbase + j * CHUNK, CHUNK)], idx_v[j], isem[j])
        for j in range(NBUF):
            pltpu.make_async_copy(
                x_hbm.at[pl.ds(xbase + j * CHUNK, CHUNK)], idx_v[j],
                isem[j]).wait()
            pltpu.async_copy(table_hbm.at[idx_v[j]], rows_v[j], gsem[j])

        @pl.loop(0, NCH, step=NBUF)
        def _(t):
            for j in range(NBUF):
                pltpu.make_async_copy(
                    table_hbm.at[idx_v[j]], rows_v[j], gsem[j]).wait()
                pltpu.async_copy(rows_v[j], sctr_dst(t, j), ssem[j],
                                 add=True)

                @pl.when(t + NBUF + j < NCH)
                def _():
                    pltpu.async_copy(
                        x_hbm.at[pl.ds(xbase + (t + NBUF + j) * CHUNK, CHUNK)],
                        idx_v[j], isem[j])

            for j in range(NBUF):
                @pl.when(t + NBUF + j < NCH)
                def _():
                    pltpu.make_async_copy(
                        rows_v[j], sctr_dst(t, j), ssem[j]).wait()
                    pltpu.make_async_copy(
                        x_hbm.at[pl.ds(xbase + (t + NBUF + j) * CHUNK, CHUNK)],
                        idx_v[j], isem[j]).wait()
                    pltpu.async_copy(
                        table_hbm.at[idx_v[j]], rows_v[j], gsem[j])

        for j in range(NBUF):
            pltpu.make_async_copy(
                rows_v[j], sctr_dst(NCH - NBUF, j), ssem[j]).wait()

        pltpu.sync_copy(
            acc_sh.at[pl.ds(base, ROWS_W)],
            out_hbm.at[pl.ds(wid * ROWS_W, ROWS_W)],
        )

    return k(x4, seg4, zeros, table)


def _tc_head(hsum, w, b2):
    blk = 2048

    def body(h_ref, w_ref, b_ref, o_ref):
        h = h_ref[...] * (1.0 / SEQ)
        logits = lax.dot_general(
            h, w_ref[...], (((1,), (1,)), ((), ())),
            preferred_element_type=jnp.float32,
            precision=lax.Precision.HIGHEST,
        )
        logits = logits + b_ref[...]
        m = jnp.max(logits, axis=-1, keepdims=True)
        e = jnp.exp(logits - m)
        ls = jnp.log(jnp.sum(e, axis=-1, keepdims=True)) + m
        o_ref[...] = logits - ls

    return pl.pallas_call(
        body,
        out_shape=jax.ShapeDtypeStruct((BATCH, OUT), jnp.float32),
        grid=(BATCH // blk,),
        in_specs=[
            pl.BlockSpec((blk, EMB), lambda i: (i, 0)),
            pl.BlockSpec((OUT, EMB), lambda i: (0, 0)),
            pl.BlockSpec((1, OUT), lambda i: (0, 0)),
        ],
        out_specs=pl.BlockSpec((blk, OUT), lambda i: (i, 0)),
    )(hsum, w, b2)


def kernel(X, table, W, b):
    sh = RBLK.bit_length() - 1
    xi = X.astype(jnp.int32).reshape(NW * NCH * CHUNK)
    x4 = (((xi >> sh) << sh) + ((xi & (RBLK // 4 - 1)) << 2)
          + ((xi >> (sh - 2)) & 3))
    seg4 = jnp.arange(CHUNK, dtype=jnp.int32) // SEQ
    zeros = jnp.zeros((ROWS_W, EMB), jnp.float32)
    table_r = _tc_repack_table(jnp.transpose(table))
    table_rm = table_r.reshape(VOCAB_PAD, EMB)
    hsum = _sc_pool_sums(x4, seg4, zeros, table_rm)
    return _tc_head(hsum, W, b.reshape(1, OUT))

# --- scband reference (transcript-rebuilt; emitter-appended) ---
"""Pipeline reference for scband-bo-embeddings-module-21277267984567 (READ-ONLY COPY).

The authoritative reference and input builder live on the scoring server;
editing this copy changes nothing except your own understanding.
"""

import jax, jax.numpy as jnp
import numpy as np

VOCAB = 1000000
EMB = 32
OUT = 128
B = 16384
L = 200

def setup_inputs(seed: int = 0) -> dict:
    key = jax.random.key(seed)
    k1, k2, k3, k4 = jax.random.split(key, 4)
    X = jax.random.randint(k1, (B, L), 0, VOCAB, dtype=jnp.int64) if jax.config.jax_enable_x64 else jax.random.randint(k1, (B, L), 0, VOCAB, dtype=jnp.int32)
    table = jax.random.normal(k2, (VOCAB, EMB), dtype=jnp.float32)
    W = jax.random.normal(k3, (OUT, EMB), dtype=jnp.float32) * (1.0 / np.sqrt(EMB))
    b = jax.random.normal(k4, (OUT,), dtype=jnp.float32) * 0.01
    return {"X": X, "table": table, "W": W, "b": b}

def reference(X, table, W, b):
    # embedding lookup: gather rows from table
    emb = jnp.take(table, X, axis=0)           # [B, L, EMB]
    hidden = emb.mean(axis=1)                   # [B, EMB]
    hidden = hidden.reshape(-1, EMB)
    logits = hidden @ W.T + b                   # [B, OUT]
    # log_softmax over last dim
    out = logits - jax.scipy.special.logsumexp(logits, axis=-1, keepdims=True)
    return out

if __name__ == "__main__":
    import jax
    _d = setup_inputs()
    print(jax.jit(kernel)(*tuple(_d.values())))

</pallas_src>

<mosaic_0001>
#map = affine_map<(d0, d1) -> (0)>
#map1 = affine_map<(d0, d1) -> (0, 0)>
module attributes {stable_mosaic.version = 14 : i64} {
  func.func @k(%arg0: i32, %arg1: i32, %arg2: memref<3276800xi32, #tpu.memory_space<hbm>>, %arg3: memref<800xi32, #tpu.memory_space<hbm>>, %arg4: memref<512x32xf32, #tpu.memory_space<hbm>>, %arg5: memref<1048576x32xf32, #tpu.memory_space<hbm>>, %arg6: memref<16384x32xf32, #tpu.memory_space<hbm>>, %arg7: memref<800xi32, #tpu.memory_space<vmem>>, %arg8: memref<800xi32, #tpu.memory_space<vmem>>, %arg9: memref<800xi32, #tpu.memory_space<vmem>>, %arg10: memref<800xi32, #tpu.memory_space<vmem>>, %arg11: memref<800x32xf32, #tpu.memory_space<vmem>>, %arg12: memref<800x32xf32, #tpu.memory_space<vmem>>, %arg13: memref<800x32xf32, #tpu.memory_space<vmem>>, %arg14: memref<800x32xf32, #tpu.memory_space<vmem>>, %arg15: memref<800xi32, #tpu.memory_space<vmem>>, %arg16: memref<8192x32xf32, #tpu.memory_space<vmem_shared>>, %arg17: memref<!tpu.dma_semaphore, #tpu.memory_space<semaphore_mem>>, %arg18: memref<!tpu.dma_semaphore, #tpu.memory_space<semaphore_mem>>, %arg19: memref<!tpu.dma_semaphore, #tpu.memory_space<semaphore_mem>>, %arg20: memref<!tpu.dma_semaphore, #tpu.memory_space<semaphore_mem>>, %arg21: memref<!tpu.dma_semaphore, #tpu.memory_space<semaphore_mem>>, %arg22: memref<!tpu.dma_semaphore, #tpu.memory_space<semaphore_mem>>, %arg23: memref<!tpu.dma_semaphore, #tpu.memory_space<semaphore_mem>>, %arg24: memref<!tpu.dma_semaphore, #tpu.memory_space<semaphore_mem>>, %arg25: memref<!tpu.dma_semaphore, #tpu.memory_space<semaphore_mem>>, %arg26: memref<!tpu.dma_semaphore, #tpu.memory_space<semaphore_mem>>, %arg27: memref<!tpu.dma_semaphore, #tpu.memory_space<semaphore_mem>>, %arg28: memref<!tpu.dma_semaphore, #tpu.memory_space<semaphore_mem>>) attributes {dimension_semantics = [#tpu.dimension_semantics<core_parallel>, #tpu.dimension_semantics<subcore_parallel>], iteration_bounds = array<i64: 2, 16>, scalar_prefetch = 0 : i64, scratch_operands = 22 : i64, tpu.core_type = #tpu.core_type<sc_vector_subcore>, window_params = [{transform_indices = #map}, {transform_indices = #map}, {transform_indices = #map1}, {transform_indices = #map1}, {transform_indices = #map1}]} {
    %mul3A = arith.constant 16 : i32
    %mul3A_0 = arith.muli %arg0, %mul3A : i32
    %add3A = arith.addi %mul3A_0, %arg1 : i32
    %mul3A_1 = arith.constant 512 : i32
    %mul3A_2 = arith.muli %arg1, %mul3A_1 : i32
    "tpu.region"() ({
      %run_scoped3A = tpu.sem_alloc : memref<!tpu.dma_semaphore, #tpu.memory_space<semaphore_mem>>
      %dma_start3A_81 = arith.constant 0 : i32
      %dma_start3A_82 = tpu.memref_slice %arg16[%mul3A_2, %dma_start3A_81] : memref<8192x32xf32, #tpu.memory_space<vmem_shared>> -> memref<512x32xf32, #tpu.memory_space<vmem_shared>>
      tpu.enqueue_dma source(%arg4 : memref<512x32xf32, #tpu.memory_space<hbm>>) target(%dma_start3A_82 : memref<512x32xf32, #tpu.memory_space<vmem_shared>>) target_semaphore(%run_scoped3A : memref<!tpu.dma_semaphore, #tpu.memory_space<semaphore_mem>>)
      %dma_wait3A_83 = arith.constant 0 : i32
      %dma_wait3A_84 = tpu.memref_slice %arg16[%mul3A_2, %dma_wait3A_83] : memref<8192x32xf32, #tpu.memory_space<vmem_shared>> -> memref<512x32xf32, #tpu.memory_space<vmem_shared>>
      tpu.wait_dma2 semaphore(%run_scoped3A : memref<!tpu.dma_semaphore, #tpu.memory_space<semaphore_mem>>) src(%arg4 : memref<512x32xf32, #tpu.memory_space<hbm>>) dst(%dma_wait3A_84 : memref<512x32xf32, #tpu.memory_space<vmem_shared>>)
      tpu.yield
    }) : () -> ()
    "tpu.region"() ({
      %run_scoped3A = tpu.sem_alloc : memref<!tpu.dma_semaphore, #tpu.memory_space<semaphore_mem>>
      tpu.enqueue_dma source(%arg3 : memref<800xi32, #tpu.memory_space<hbm>>) target(%arg15 : memref<800xi32, #tpu.memory_space<vmem>>) target_semaphore(%run_scoped3A : memref<!tpu.dma_semaphore, #tpu.memory_space<semaphore_mem>>)
      tpu.wait_dma2 semaphore(%run_scoped3A : memref<!tpu.dma_semaphore, #tpu.memory_space<semaphore_mem>>) src(%arg3 : memref<800xi32, #tpu.memory_space<hbm>>) dst(%arg15 : memref<800xi32, #tpu.memory_space<vmem>>)
      tpu.yield
    }) : () -> ()
    %mul3A_3 = arith.constant 102400 : i32
    %mul3A_4 = arith.muli %add3A, %mul3A_3 : i32
    %add3A_5 = arith.constant 0 : i32
    %add3A_6 = arith.addi %mul3A_4, %add3A_5 : i32
    %dma_start3A = tpu.memref_slice %arg2[%add3A_6] : memref<3276800xi32, #tpu.memory_space<hbm>> -> memref<800xi32, #tpu.memory_space<hbm>>
    %dma_start3A_7 = tpu.memref_slice %arg2[%add3A_6] : memref<3276800xi32, #tpu.memory_space<hbm>> -> memref<800xi32, #tpu.memory_space<hbm>>
    tpu.enqueue_dma source(%dma_start3A_7 : memref<800xi32, #tpu.memory_space<hbm>>) target(%arg7 : memref<800xi32, #tpu.memory_space<vmem>>) target_semaphore(%arg17 : memref<!tpu.dma_semaphore, #tpu.memory_space<semaphore_mem>>)
    %add3A_8 = arith.constant 800 : i32
    %add3A_9 = arith.addi %mul3A_4, %add3A_8 : i32
    %dma_start3A_10 = tpu.memref_slice %arg2[%add3A_9] : memref<3276800xi32, #tpu.memory_space<hbm>> -> memref<800xi32, #tpu.memory_space<hbm>>
    %dma_start3A_11 = tpu.memref_slice %arg2[%add3A_9] : memref<3276800xi32, #tpu.memory_space<hbm>> -> memref<800xi32, #tpu.memory_space<hbm>>
    tpu.enqueue_dma source(%dma_start3A_11 : memref<800xi32, #tpu.memory_space<hbm>>) target(%arg8 : memref<800xi32, #tpu.memory_space<vmem>>) target_semaphore(%arg18 : memref<!tpu.dma_semaphore, #tpu.memory_space<semaphore_mem>>)
    %add3A_12 = arith.constant 1600 : i32
    %add3A_13 = arith.addi %mul3A_4, %add3A_12 : i32
    %dma_start3A_14 = tpu.memref_slice %arg2[%add3A_13] : memref<3276800xi32, #tpu.memory_space<hbm>> -> memref<800xi32, #tpu.memory_space<hbm>>
    %dma_start3A_15 = tpu.memref_slice %arg2[%add3A_13] : memref<3276800xi32, #tpu.memory_space<hbm>> -> memref<800xi32, #tpu.memory_space<hbm>>
    tpu.enqueue_dma source(%dma_start3A_15 : memref<800xi32, #tpu.memory_space<hbm>>) target(%arg9 : memref<800xi32, #tpu.memory_space<vmem>>) target_semaphore(%arg19 : memref<!tpu.dma_semaphore, #tpu.memory_space<semaphore_mem>>)
    %add3A_16 = arith.constant 2400 : i32
    %add3A_17 = arith.addi %mul3A_4, %add3A_16 : i32
    %dma_start3A_18 = tpu.memref_slice %arg2[%add3A_17] : memref<3276800xi32, #tpu.memory_space<hbm>> -> memref<800xi32, #tpu.memory_space<hbm>>
    %dma_start3A_19 = tpu.memref_slice %arg2[%add3A_17] : memref<3276800xi32, #tpu.memory_space<hbm>> -> memref<800xi32, #tpu.memory_space<hbm>>
    tpu.enqueue_dma source(%dma_start3A_19 : memref<800xi32, #tpu.memory_space<hbm>>) target(%arg10 : memref<800xi32, #tpu.memory_space<vmem>>) target_semaphore(%arg20 : memref<!tpu.dma_semaphore, #tpu.memory_space<semaphore_mem>>)
    %add3A_20 = arith.constant 0 : i32
    %add3A_21 = arith.addi %mul3A_4, %add3A_20 : i32
    %dma_wait3A = tpu.memref_slice %arg2[%add3A_21] : memref<3276800xi32, #tpu.memory_space<hbm>> -> memref<800xi32, #tpu.memory_space<hbm>>
    %dma_wait3A_22 = tpu.memref_slice %arg2[%add3A_21] : memref<3276800xi32, #tpu.memory_space<hbm>> -> memref<800xi32, #tpu.memory_space<hbm>>
    tpu.wait_dma2 semaphore(%arg17 : memref<!tpu.dma_semaphore, #tpu.memory_space<semaphore_mem>>) src(%dma_wait3A_22 : memref<800xi32, #tpu.memory_space<hbm>>) dst(%arg7 : memref<800xi32, #tpu.memory_space<vmem>>)
    %dma_start3A_23 = arith.constant 0 : i32
    %dma_start3A_24 = arith.constant 0 : i32
    %dma_start3A_25 = tpu.memref_slice %arg5[%dma_start3A_23, %dma_start3A_24] : memref<1048576x32xf32, #tpu.memory_space<hbm>> -> memref<1048576x32xf32, #tpu.memory_space<hbm>>
    tpu.enqueue_indirect_dma source(%dma_start3A_25 : memref<1048576x32xf32, #tpu.memory_space<hbm>>) target(%arg11 : memref<800x32xf32, #tpu.memory_space<vmem>>) offsets(%arg7 : memref<800xi32, #tpu.memory_space<vmem>>) semaphore(%arg21 : memref<!tpu.dma_semaphore, #tpu.memory_space<semaphore_mem>>)
    %add3A_26 = arith.constant 800 : i32
    %add3A_27 = arith.addi %mul3A_4, %add3A_26 : i32
    %dma_wait3A_28 = tpu.memref_slice %arg2[%add3A_27] : memref<3276800xi32, #tpu.memory_space<hbm>> -> memref<800xi32, #tpu.memory_space<hbm>>
    %dma_wait3A_29 = tpu.memref_slice %arg2[%add3A_27] : memref<3276800xi32, #tpu.memory_space<hbm>> -> memref<800xi32, #tpu.memory_space<hbm>>
    tpu.wait_dma2 semaphore(%arg18 : memref<!tpu.dma_semaphore, #tpu.memory_space<semaphore_mem>>) src(%dma_wait3A_29 : memref<800xi32, #tpu.memory_space<hbm>>) dst(%arg8 : memref<800xi32, #tpu.memory_space<vmem>>)
    %dma_start3A_30 = arith.constant 0 : i32
    %dma_start3A_31 = arith.constant 0 : i32
    %dma_start3A_32 = tpu.memref_slice %arg5[%dma_start3A_30, %dma_start3A_31] : memref<1048576x32xf32, #tpu.memory_space<hbm>> -> memref<1048576x32xf32, #tpu.memory_space<hbm>>
    tpu.enqueue_indirect_dma source(%dma_start3A_32 : memref<1048576x32xf32, #tpu.memory_space<hbm>>) target(%arg12 : memref<800x32xf32, #tpu.memory_space<vmem>>) offsets(%arg8 : memref<800xi32, #tpu.memory_space<vmem>>) semaphore(%arg22 : memref<!tpu.dma_semaphore, #tpu.memory_space<semaphore_mem>>)
    %add3A_33 = arith.constant 1600 : i32
    %add3A_34 = arith.addi %mul3A_4, %add3A_33 : i32
    %dma_wait3A_35 = tpu.memref_slice %arg2[%add3A_34] : memref<3276800xi32, #tpu.memory_space<hbm>> -> memref<800xi32, #tpu.memory_space<hbm>>
    %dma_wait3A_36 = tpu.memref_slice %arg2[%add3A_34] : memref<3276800xi32, #tpu.memory_space<hbm>> -> memref<800xi32, #tpu.memory_space<hbm>>
    tpu.wait_dma2 semaphore(%arg19 : memref<!tpu.dma_semaphore, #tpu.memory_space<semaphore_mem>>) src(%dma_wait3A_36 : memref<800xi32, #tpu.memory_space<hbm>>) dst(%arg9 : memref<800xi32, #tpu.memory_space<vmem>>)
    %dma_start3A_37 = arith.constant 0 : i32
    %dma_start3A_38 = arith.constant 0 : i32
    %dma_start3A_39 = tpu.memref_slice %arg5[%dma_start3A_37, %dma_start3A_38] : memref<1048576x32xf32, #tpu.memory_space<hbm>> -> memref<1048576x32xf32, #tpu.memory_space<hbm>>
    tpu.enqueue_indirect_dma source(%dma_start3A_39 : memref<1048576x32xf32, #tpu.memory_space<hbm>>) target(%arg13 : memref<800x32xf32, #tpu.memory_space<vmem>>) offsets(%arg9 : memref<800xi32, #tpu.memory_space<vmem>>) semaphore(%arg23 : memref<!tpu.dma_semaphore, #tpu.memory_space<semaphore_mem>>)
    %add3A_40 = arith.constant 2400 : i32
    %add3A_41 = arith.addi %mul3A_4, %add3A_40 : i32
    %dma_wait3A_42 = tpu.memref_slice %arg2[%add3A_41] : memref<3276800xi32, #tpu.memory_space<hbm>> -> memref<800xi32, #tpu.memory_space<hbm>>
    %dma_wait3A_43 = tpu.memref_slice %arg2[%add3A_41] : memref<3276800xi32, #tpu.memory_space<hbm>> -> memref<800xi32, #tpu.memory_space<hbm>>
    tpu.wait_dma2 semaphore(%arg20 : memref<!tpu.dma_semaphore, #tpu.memory_space<semaphore_mem>>) src(%dma_wait3A_43 : memref<800xi32, #tpu.memory_space<hbm>>) dst(%arg10 : memref<800xi32, #tpu.memory_space<vmem>>)
    %dma_start3A_44 = arith.constant 0 : i32
    %dma_start3A_45 = arith.constant 0 : i32
    %dma_start3A_46 = tpu.memref_slice %arg5[%dma_start3A_44, %dma_start3A_45] : memref<1048576x32xf32, #tpu.memory_space<hbm>> -> memref<1048576x32xf32, #tpu.memory_space<hbm>>
    tpu.enqueue_indirect_dma source(%dma_start3A_46 : memref<1048576x32xf32, #tpu.memory_space<hbm>>) target(%arg14 : memref<800x32xf32, #tpu.memory_space<vmem>>) offsets(%arg10 : memref<800xi32, #tpu.memory_space<vmem>>) semaphore(%arg24 : memref<!tpu.dma_semaphore, #tpu.memory_space<semaphore_mem>>)
    %scan3A = arith.constant 0 : i32
    %scan3A_47 = arith.constant 32 : i32
    %scan3A_48 = arith.addi %scan3A, %scan3A_47 : i32
    %scan3A_49 = arith.constant 1 : i32
    scf.for %scan3A_81 = %scan3A to %scan3A_48 step %scan3A_49  : i32 {
      %mul3A_82 = arith.constant 4 : i32
      %mul3A_83 = arith.muli %scan3A_81, %mul3A_82 : i32
      %add3A_84 = arith.constant 0 : i32
      %add3A_85 = arith.addi %add3A_84, %mul3A_83 : i32
      %dma_wait3A_86 = arith.constant 0 : i32
      %dma_wait3A_87 = arith.constant 0 : i32
      %dma_wait3A_88 = tpu.memref_slice %arg5[%dma_wait3A_86, %dma_wait3A_87] : memref<1048576x32xf32, #tpu.memory_space<hbm>> -> memref<1048576x32xf32, #tpu.memory_space<hbm>>
      tpu.wait_indirect_dma semaphore(%arg21 : memref<!tpu.dma_semaphore, #tpu.memory_space<semaphore_mem>>) src(%dma_wait3A_88 : memref<1048576x32xf32, #tpu.memory_space<hbm>>) dst(%arg11 : memref<800x32xf32, #tpu.memory_space<vmem>>)
      %add3A_89 = arith.constant 0 : i32
      %add3A_90 = arith.addi %add3A_85, %add3A_89 : i32
      %mul3A_91 = arith.constant 4 : i32
      %mul3A_92 = arith.muli %add3A_90, %mul3A_91 : i32
      %add3A_93 = arith.addi %mul3A_2, %mul3A_92 : i32
      %dma_start3A_94 = arith.constant 0 : i32
      %dma_start3A_95 = tpu.memref_slice %arg16[%add3A_93, %dma_start3A_94] : memref<8192x32xf32, #tpu.memory_space<vmem_shared>> -> memref<4x32xf32, #tpu.memory_space<vmem_shared>>
      %dma_start3A_96 = arith.constant 0 : i32
      %dma_start3A_97 = arith.constant 0 : i32
      %dma_start3A_98 = tpu.memref_slice %dma_start3A_95[%dma_start3A_96, %dma_start3A_97] : memref<4x32xf32, #tpu.memory_space<vmem_shared>> -> memref<4x32xf32, #tpu.memory_space<vmem_shared>>
      tpu.enqueue_indirect_dma source(%arg11 : memref<800x32xf32, #tpu.memory_space<vmem>>) target(%dma_start3A_98 : memref<4x32xf32, #tpu.memory_space<vmem_shared>>) offsets(%arg15 : memref<800xi32, #tpu.memory_space<vmem>>) semaphore(%arg25 : memref<!tpu.dma_semaphore, #tpu.memory_space<semaphore_mem>>) {add = true}
      %add3A_99 = arith.constant 4 : i32
      %add3A_100 = arith.addi %add3A_85, %add3A_99 : i32
      %add3A_101 = arith.constant 0 : i32
      %add3A_102 = arith.addi %add3A_100, %add3A_101 : i32
      %lt3A = arith.constant 128 : i32
      %lt3A_103 = arith.cmpi slt, %add3A_102, %lt3A : i32
      %convert_element_type3A = arith.extui %lt3A_103 : i1 to i32
      %cond3A = arith.constant 0 : i32
      %cond3A_104 = arith.cmpi ne, %convert_element_type3A, %cond3A : i32
      scf.if %cond3A_104 {
        %add3A_207 = arith.constant 4 : i32
        %add3A_208 = arith.addi %add3A_85, %add3A_207 : i32
        %add3A_209 = arith.constant 0 : i32
        %add3A_210 = arith.addi %add3A_208, %add3A_209 : i32
        %mul3A_211 = arith.constant 800 : i32
        %mul3A_212 = arith.muli %add3A_210, %mul3A_211 : i32
        %add3A_213 = arith.addi %mul3A_4, %mul3A_212 : i32
        %dma_start3A_214 = tpu.memref_slice %arg2[%add3A_213] : memref<3276800xi32, #tpu.memory_space<hbm>> -> memref<800xi32, #tpu.memory_space<hbm>>
        %dma_start3A_215 = tpu.memref_slice %arg2[%add3A_213] : memref<3276800xi32, #tpu.memory_space<hbm>> -> memref<800xi32, #tpu.memory_space<hbm>>
        tpu.enqueue_dma source(%dma_start3A_215 : memref<800xi32, #tpu.memory_space<hbm>>) target(%arg7 : memref<800xi32, #tpu.memory_space<vmem>>) target_semaphore(%arg17 : memref<!tpu.dma_semaphore, #tpu.memory_space<semaphore_mem>>)
      } else {
      }
      %dma_wait3A_105 = arith.constant 0 : i32
      %dma_wait3A_106 = arith.constant 0 : i32
      %dma_wait3A_107 = tpu.memref_slice %arg5[%dma_wait3A_105, %dma_wait3A_106] : memref<1048576x32xf32, #tpu.memory_space<hbm>> -> memref<1048576x32xf32, #tpu.memory_space<hbm>>
      tpu.wait_indirect_dma semaphore(%arg22 : memref<!tpu.dma_semaphore, #tpu.memory_space<semaphore_mem>>) src(%dma_wait3A_107 : memref<1048576x32xf32, #tpu.memory_space<hbm>>) dst(%arg12 : memref<800x32xf32, #tpu.memory_space<vmem>>)
      %add3A_108 = arith.constant 1 : i32
      %add3A_109 = arith.addi %add3A_85, %add3A_108 : i32
      %mul3A_110 = arith.constant 4 : i32
      %mul3A_111 = arith.muli %add3A_109, %mul3A_110 : i32
      %add3A_112 = arith.addi %mul3A_2, %mul3A_111 : i32
      %dma_start3A_113 = arith.constant 0 : i32
      %dma_start3A_114 = tpu.memref_slice %arg16[%add3A_112, %dma_start3A_113] : memref<8192x32xf32, #tpu.memory_space<vmem_shared>> -> memref<4x32xf32, #tpu.memory_space<vmem_shared>>
      %dma_start3A_115 = arith.constant 0 : i32
      %dma_start3A_116 = arith.constant 0 : i32
      %dma_start3A_117 = tpu.memref_slice %dma_start3A_114[%dma_start3A_115, %dma_start3A_116] : memref<4x32xf32, #tpu.memory_space<vmem_shared>> -> memref<4x32xf32, #tpu.memory_space<vmem_shared>>
      tpu.enqueue_indirect_dma source(%arg12 : memref<800x32xf32, #tpu.memory_space<vmem>>) target(%dma_start3A_117 : memref<4x32xf32, #tpu.memory_space<vmem_shared>>) offsets(%arg15 : memref<800xi32, #tpu.memory_space<vmem>>) semaphore(%arg26 : memref<!tpu.dma_semaphore, #tpu.memory_space<semaphore_mem>>) {add = true}
      %add3A_118 = arith.constant 4 : i32
      %add3A_119 = arith.addi %add3A_85, %add3A_118 : i32
      %add3A_120 = arith.constant 1 : i32
      %add3A_121 = arith.addi %add3A_119, %add3A_120 : i32
      %lt3A_122 = arith.constant 128 : i32
      %lt3A_123 = arith.cmpi slt, %add3A_121, %lt3A_122 : i32
      %convert_element_type3A_124 = arith.extui %lt3A_123 : i1 to i32
      %cond3A_125 = arith.constant 0 : i32
      %cond3A_126 = arith.cmpi ne, %convert_element_type3A_124, %cond3A_125 : i32
      scf.if %cond3A_126 {
        %add3A_207 = arith.constant 4 : i32
        %add3A_208 = arith.addi %add3A_85, %add3A_207 : i32
        %add3A_209 = arith.constant 1 : i32
        %add3A_210 = arith.addi %add3A_208, %add3A_209 : i32
        %mul3A_211 = arith.constant 800 : i32
        %mul3A_212 = arith.muli %add3A_210, %mul3A_211 : i32
        %add3A_213 = arith.addi %mul3A_4, %mul3A_212 : i32
        %dma_start3A_214 = tpu.memref_slice %arg2[%add3A_213] : memref<3276800xi32, #tpu.memory_space<hbm>> -> memref<800xi32, #tpu.memory_space<hbm>>
        %dma_start3A_215 = tpu.memref_slice %arg2[%add3A_213] : memref<3276800xi32, #tpu.memory_space<hbm>> -> memref<800xi32, #tpu.memory_space<hbm>>
        tpu.enqueue_dma source(%dma_start3A_215 : memref<800xi32, #tpu.memory_space<hbm>>) target(%arg8 : memref<800xi32, #tpu.memory_space<vmem>>) target_semaphore(%arg18 : memref<!tpu.dma_semaphore, #tpu.memory_space<semaphore_mem>>)
      } else {
      }
      %dma_wait3A_127 = arith.constant 0 : i32
      %dma_wait3A_128 = arith.constant 0 : i32
      %dma_wait3A_129 = tpu.memref_slice %arg5[%dma_wait3A_127, %dma_wait3A_128] : memref<1048576x32xf32, #tpu.memory_space<hbm>> -> memref<1048576x32xf32, #tpu.memory_space<hbm>>
      tpu.wait_indirect_dma semaphore(%arg23 : memref<!tpu.dma_semaphore, #tpu.memory_space<semaphore_mem>>) src(%dma_wait3A_129 : memref<1048576x32xf32, #tpu.memory_space<hbm>>) dst(%arg13 : memref<800x32xf32, #tpu.memory_space<vmem>>)
      %add3A_130 = arith.constant 2 : i32
      %add3A_131 = arith.addi %add3A_85, %add3A_130 : i32
      %mul3A_132 = arith.constant 4 : i32
      %mul3A_133 = arith.muli %add3A_131, %mul3A_132 : i32
      %add3A_134 = arith.addi %mul3A_2, %mul3A_133 : i32
      %dma_start3A_135 = arith.constant 0 : i32
      %dma_start3A_136 = tpu.memref_slice %arg16[%add3A_134, %dma_start3A_135] : memref<8192x32xf32, #tpu.memory_space<vmem_shared>> -> memref<4x32xf32, #tpu.memory_space<vmem_shared>>
      %dma_start3A_137 = arith.constant 0 : i32
      %dma_start3A_138 = arith.constant 0 : i32
      %dma_start3A_139 = tpu.memref_slice %dma_start3A_136[%dma_start3A_137, %dma_start3A_138] : memref<4x32xf32, #tpu.memory_space<vmem_shared>> -> memref<4x32xf32, #tpu.memory_space<vmem_shared>>
      tpu.enqueue_indirect_dma source(%arg13 : memref<800x32xf32, #tpu.memory_space<vmem>>) target(%dma_start3A_139 : memref<4x32xf32, #tpu.memory_space<vmem_shared>>) offsets(%arg15 : memref<800xi32, #tpu.memory_space<vmem>>) semaphore(%arg27 : memref<!tpu.dma_semaphore, #tpu.memory_space<semaphore_mem>>) {add = true}
      %add3A_140 = arith.constant 4 : i32
      %add3A_141 = arith.addi %add3A_85, %add3A_140 : i32
      %add3A_142 = arith.constant 2 : i32
      %add3A_143 = arith.addi %add3A_141, %add3A_142 : i32
      %lt3A_144 = arith.constant 128 : i32
      %lt3A_145 = arith.cmpi slt, %add3A_143, %lt3A_144 : i32
      %convert_element_type3A_146 = arith.extui %lt3A_145 : i1 to i32
      %cond3A_147 = arith.constant 0 : i32
      %cond3A_148 = arith.cmpi ne, %convert_element_type3A_146, %cond3A_147 : i32
      scf.if %cond3A_148 {
        %add3A_207 = arith.constant 4 : i32
        %add3A_208 = arith.addi %add3A_85, %add3A_207 : i32
        %add3A_209 = arith.constant 2 : i32
        %add3A_210 = arith.addi %add3A_208, %add3A_209 : i32
        %mul3A_211 = arith.constant 800 : i32
        %mul3A_212 = arith.muli %add3A_210, %mul3A_211 : i32
        %add3A_213 = arith.addi %mul3A_4, %mul3A_212 : i32
        %dma_start3A_214 = tpu.memref_slice %arg2[%add3A_213] : memref<3276800xi32, #tpu.memory_space<hbm>> -> memref<800xi32, #tpu.memory_space<hbm>>
        %dma_start3A_215 = tpu.memref_slice %arg2[%add3A_213] : memref<3276800xi32, #tpu.memory_space<hbm>> -> memref<800xi32, #tpu.memory_space<hbm>>
        tpu.enqueue_dma source(%dma_start3A_215 : memref<800xi32, #tpu.memory_space<hbm>>) target(%arg9 : memref<800xi32, #tpu.memory_space<vmem>>) target_semaphore(%arg19 : memref<!tpu.dma_semaphore, #tpu.memory_space<semaphore_mem>>)
      } else {
      }
      %dma_wait3A_149 = arith.constant 0 : i32
      %dma_wait3A_150 = arith.constant 0 : i32
      %dma_wait3A_151 = tpu.memref_slice %arg5[%dma_wait3A_149, %dma_wait3A_150] : memref<1048576x32xf32, #tpu.memory_space<hbm>> -> memref<1048576x32xf32, #tpu.memory_space<hbm>>
      tpu.wait_indirect_dma semaphore(%arg24 : memref<!tpu.dma_semaphore, #tpu.memory_space<semaphore_mem>>) src(%dma_wait3A_151 : memref<1048576x32xf32, #tpu.memory_space<hbm>>) dst(%arg14 : memref<800x32xf32, #tpu.memory_space<vmem>>)
      %add3A_152 = arith.constant 3 : i32
      %add3A_153 = arith.addi %add3A_85, %add3A_152 : i32
      %mul3A_154 = arith.constant 4 : i32
      %mul3A_155 = arith.muli %add3A_153, %mul3A_154 : i32
      %add3A_156 = arith.addi %mul3A_2, %mul3A_155 : i32
      %dma_start3A_157 = arith.constant 0 : i32
      %dma_start3A_158 = tpu.memref_slice %arg16[%add3A_156, %dma_start3A_157] : memref<8192x32xf32, #tpu.memory_space<vmem_shared>> -> memref<4x32xf32, #tpu.memory_space<vmem_shared>>
      %dma_start3A_159 = arith.constant 0 : i32
      %dma_start3A_160 = arith.constant 0 : i32
      %dma_start3A_161 = tpu.memref_slice %dma_start3A_158[%dma_start3A_159, %dma_start3A_160] : memref<4x32xf32, #tpu.memory_space<vmem_shared>> -> memref<4x32xf32, #tpu.memory_space<vmem_shared>>
      tpu.enqueue_indirect_dma source(%arg14 : memref<800x32xf32, #tpu.memory_space<vmem>>) target(%dma_start3A_161 : memref<4x32xf32, #tpu.memory_space<vmem_shared>>) offsets(%arg15 : memref<800xi32, #tpu.memory_space<vmem>>) semaphore(%arg28 : memref<!tpu.dma_semaphore, #tpu.memory_space<semaphore_mem>>) {add = true}
      %add3A_162 = arith.constant 4 : i32
      %add3A_163 = arith.addi %add3A_85, %add3A_162 : i32
      %add3A_164 = arith.constant 3 : i32
      %add3A_165 = arith.addi %add3A_163, %add3A_164 : i32
      %lt3A_166 = arith.constant 128 : i32
      %lt3A_167 = arith.cmpi slt, %add3A_165, %lt3A_166 : i32
      %convert_element_type3A_168 = arith.extui %lt3A_167 : i1 to i32
      %cond3A_169 = arith.constant 0 : i32
      %cond3A_170 = arith.cmpi ne, %convert_element_type3A_168, %cond3A_169 : i32
      scf.if %cond3A_170 {
        %add3A_207 = arith.constant 4 : i32
        %add3A_208 = arith.addi %add3A_85, %add3A_207 : i32
        %add3A_209 = arith.constant 3 : i32
        %add3A_210 = arith.addi %add3A_208, %add3A_209 : i32
        %mul3A_211 = arith.constant 800 : i32
        %mul3A_212 = arith.muli %add3A_210, %mul3A_211 : i32
        %add3A_213 = arith.addi %mul3A_4, %mul3A_212 : i32
        %dma_start3A_214 = tpu.memref_slice %arg2[%add3A_213] : memref<3276800xi32, #tpu.memory_space<hbm>> -> memref<800xi32, #tpu.memory_space<hbm>>
        %dma_start3A_215 = tpu.memref_slice %arg2[%add3A_213] : memref<3276800xi32, #tpu.memory_space<hbm>> -> memref<800xi32, #tpu.memory_space<hbm>>
        tpu.enqueue_dma source(%dma_start3A_215 : memref<800xi32, #tpu.memory_space<hbm>>) target(%arg10 : memref<800xi32, #tpu.memory_space<vmem>>) target_semaphore(%arg20 : memref<!tpu.dma_semaphore, #tpu.memory_space<semaphore_mem>>)
      } else {
      }
      %add3A_171 = arith.constant 4 : i32
      %add3A_172 = arith.addi %add3A_85, %add3A_171 : i32
      %add3A_173 = arith.constant 0 : i32
      %add3A_174 = arith.addi %add3A_172, %add3A_173 : i32
      %lt3A_175 = arith.constant 128 : i32
      %lt3A_176 = arith.cmpi slt, %add3A_174, %lt3A_175 : i32
      %convert_element_type3A_177 = arith.extui %lt3A_176 : i1 to i32
      %cond3A_178 = arith.constant 0 : i32
      %cond3A_179 = arith.cmpi ne, %convert_element_type3A_177, %cond3A_178 : i32
      scf.if %cond3A_179 {
        %add3A_207 = arith.constant 0 : i32
        %add3A_208 = arith.addi %add3A_85, %add3A_207 : i32
        %mul3A_209 = arith.constant 4 : i32
        %mul3A_210 = arith.muli %add3A_208, %mul3A_209 : i32
        %add3A_211 = arith.addi %mul3A_2, %mul3A_210 : i32
        %dma_wait3A_212 = arith.constant 0 : i32
        %dma_wait3A_213 = tpu.memref_slice %arg16[%add3A_211, %dma_wait3A_212] : memref<8192x32xf32, #tpu.memory_space<vmem_shared>> -> memref<4x32xf32, #tpu.memory_space<vmem_shared>>
        %dma_wait3A_214 = arith.constant 0 : i32
        %dma_wait3A_215 = arith.constant 0 : i32
        %dma_wait3A_216 = tpu.memref_slice %dma_wait3A_213[%dma_wait3A_214, %dma_wait3A_215] : memref<4x32xf32, #tpu.memory_space<vmem_shared>> -> memref<4x32xf32, #tpu.memory_space<vmem_shared>>
        tpu.wait_indirect_dma semaphore(%arg25 : memref<!tpu.dma_semaphore, #tpu.memory_space<semaphore_mem>>) src(%arg11 : memref<800x32xf32, #tpu.memory_space<vmem>>) dst(%dma_wait3A_216 : memref<4x32xf32, #tpu.memory_space<vmem_shared>>)
        %add3A_217 = arith.constant 4 : i32
        %add3A_218 = arith.addi %add3A_85, %add3A_217 : i32
        %add3A_219 = arith.constant 0 : i32
        %add3A_220 = arith.addi %add3A_218, %add3A_219 : i32
        %mul3A_221 = arith.constant 800 : i32
        %mul3A_222 = arith.muli %add3A_220, %mul3A_221 : i32
        %add3A_223 = arith.addi %mul3A_4, %mul3A_222 : i32
        %dma_wait3A_224 = tpu.memref_slice %arg2[%add3A_223] : memref<3276800xi32, #tpu.memory_space<hbm>> -> memref<800xi32, #tpu.memory_space<hbm>>
        %dma_wait3A_225 = tpu.memref_slice %arg2[%add3A_223] : memref<3276800xi32, #tpu.memory_space<hbm>> -> memref<800xi32, #tpu.memory_space<hbm>>
        tpu.wait_dma2 semaphore(%arg17 : memref<!tpu.dma_semaphore, #tpu.memory_space<semaphore_mem>>) src(%dma_wait3A_225 : memref<800xi32, #tpu.memory_space<hbm>>) dst(%arg7 : memref<800xi32, #tpu.memory_space<vmem>>)
        %dma_start3A_226 = arith.constant 0 : i32
        %dma_start3A_227 = arith.constant 0 : i32
        %dma_start3A_228 = tpu.memref_slice %arg5[%dma_start3A_226, %dma_start3A_227] : memref<1048576x32xf32, #tpu.memory_space<hbm>> -> memref<1048576x32xf32, #tpu.memory_space<hbm>>
        tpu.enqueue_indirect_dma source(%dma_start3A_228 : memref<1048576x32xf32, #tpu.memory_space<hbm>>) target(%arg11 : memref<800x32xf32, #tpu.memory_space<vmem>>) offsets(%arg7 : memref<800xi32, #tpu.memory_space<vmem>>) semaphore(%arg21 : memref<!tpu.dma_semaphore, #tpu.memory_space<semaphore_mem>>)
      } else {
      }
      %add3A_180 = arith.constant 4 : i32
      %add3A_181 = arith.addi %add3A_85, %add3A_180 : i32
      %add3A_182 = arith.constant 1 : i32
      %add3A_183 = arith.addi %add3A_181, %add3A_182 : i32
      %lt3A_184 = arith.constant 128 : i32
      %lt3A_185 = arith.cmpi slt, %add3A_183, %lt3A_184 : i32
      %convert_element_type3A_186 = arith.extui %lt3A_185 : i1 to i32
      %cond3A_187 = arith.constant 0 : i32
      %cond3A_188 = arith.cmpi ne, %convert_element_type3A_186, %cond3A_187 : i32
      scf.if %cond3A_188 {
        %add3A_207 = arith.constant 1 : i32
        %add3A_208 = arith.addi %add3A_85, %add3A_207 : i32
        %mul3A_209 = arith.constant 4 : i32
        %mul3A_210 = arith.muli %add3A_208, %mul3A_209 : i32
        %add3A_211 = arith.addi %mul3A_2, %mul3A_210 : i32
        %dma_wait3A_212 = arith.constant 0 : i32
        %dma_wait3A_213 = tpu.memref_slice %arg16[%add3A_211, %dma_wait3A_212] : memref<8192x32xf32, #tpu.memory_space<vmem_shared>> -> memref<4x32xf32, #tpu.memory_space<vmem_shared>>
        %dma_wait3A_214 = arith.constant 0 : i32
        %dma_wait3A_215 = arith.constant 0 : i32
        %dma_wait3A_216 = tpu.memref_slice %dma_wait3A_213[%dma_wait3A_214, %dma_wait3A_215] : memref<4x32xf32, #tpu.memory_space<vmem_shared>> -> memref<4x32xf32, #tpu.memory_space<vmem_shared>>
        tpu.wait_indirect_dma semaphore(%arg26 : memref<!tpu.dma_semaphore, #tpu.memory_space<semaphore_mem>>) src(%arg12 : memref<800x32xf32, #tpu.memory_space<vmem>>) dst(%dma_wait3A_216 : memref<4x32xf32, #tpu.memory_space<vmem_shared>>)
        %add3A_217 = arith.constant 4 : i32
        %add3A_218 = arith.addi %add3A_85, %add3A_217 : i32
        %add3A_219 = arith.constant 1 : i32
        %add3A_220 = arith.addi %add3A_218, %add3A_219 : i32
        %mul3A_221 = arith.constant 800 : i32
        %mul3A_222 = arith.muli %add3A_220, %mul3A_221 : i32
        %add3A_223 = arith.addi %mul3A_4, %mul3A_222 : i32
        %dma_wait3A_224 = tpu.memref_slice %arg2[%add3A_223] : memref<3276800xi32, #tpu.memory_space<hbm>> -> memref<800xi32, #tpu.memory_space<hbm>>
        %dma_wait3A_225 = tpu.memref_slice %arg2[%add3A_223] : memref<3276800xi32, #tpu.memory_space<hbm>> -> memref<800xi32, #tpu.memory_space<hbm>>
        tpu.wait_dma2 semaphore(%arg18 : memref<!tpu.dma_semaphore, #tpu.memory_space<semaphore_mem>>) src(%dma_wait3A_225 : memref<800xi32, #tpu.memory_space<hbm>>) dst(%arg8 : memref<800xi32, #tpu.memory_space<vmem>>)
        %dma_start3A_226 = arith.constant 0 : i32
        %dma_start3A_227 = arith.constant 0 : i32
        %dma_start3A_228 = tpu.memref_slice %arg5[%dma_start3A_226, %dma_start3A_227] : memref<1048576x32xf32, #tpu.memory_space<hbm>> -> memref<1048576x32xf32, #tpu.memory_space<hbm>>
        tpu.enqueue_indirect_dma source(%dma_start3A_228 : memref<1048576x32xf32, #tpu.memory_space<hbm>>) target(%arg12 : memref<800x32xf32, #tpu.memory_space<vmem>>) offsets(%arg8 : memref<800xi32, #tpu.memory_space<vmem>>) semaphore(%arg22 : memref<!tpu.dma_semaphore, #tpu.memory_space<semaphore_mem>>)
      } else {
      }
      %add3A_189 = arith.constant 4 : i32
      %add3A_190 = arith.addi %add3A_85, %add3A_189 : i32
      %add3A_191 = arith.constant 2 : i32
      %add3A_192 = arith.addi %add3A_190, %add3A_191 : i32
      %lt3A_193 = arith.constant 128 : i32
      %lt3A_194 = arith.cmpi slt, %add3A_192, %lt3A_193 : i32
      %convert_element_type3A_195 = arith.extui %lt3A_194 : i1 to i32
      %cond3A_196 = arith.constant 0 : i32
      %cond3A_197 = arith.cmpi ne, %convert_element_type3A_195, %cond3A_196 : i32
      scf.if %cond3A_197 {
        %add3A_207 = arith.constant 2 : i32
        %add3A_208 = arith.addi %add3A_85, %add3A_207 : i32
        %mul3A_209 = arith.constant 4 : i32
        %mul3A_210 = arith.muli %add3A_208, %mul3A_209 : i32
        %add3A_211 = arith.addi %mul3A_2, %mul3A_210 : i32
        %dma_wait3A_212 = arith.constant 0 : i32
        %dma_wait3A_213 = tpu.memref_slice %arg16[%add3A_211, %dma_wait3A_212] : memref<8192x32xf32, #tpu.memory_space<vmem_shared>> -> memref<4x32xf32, #tpu.memory_space<vmem_shared>>
        %dma_wait3A_214 = arith.constant 0 : i32
        %dma_wait3A_215 = arith.constant 0 : i32
        %dma_wait3A_216 = tpu.memref_slice %dma_wait3A_213[%dma_wait3A_214, %dma_wait3A_215] : memref<4x32xf32, #tpu.memory_space<vmem_shared>> -> memref<4x32xf32, #tpu.memory_space<vmem_shared>>
        tpu.wait_indirect_dma semaphore(%arg27 : memref<!tpu.dma_semaphore, #tpu.memory_space<semaphore_mem>>) src(%arg13 : memref<800x32xf32, #tpu.memory_space<vmem>>) dst(%dma_wait3A_216 : memref<4x32xf32, #tpu.memory_space<vmem_shared>>)
        %add3A_217 = arith.constant 4 : i32
        %add3A_218 = arith.addi %add3A_85, %add3A_217 : i32
        %add3A_219 = arith.constant 2 : i32
        %add3A_220 = arith.addi %add3A_218, %add3A_219 : i32
        %mul3A_221 = arith.constant 800 : i32
        %mul3A_222 = arith.muli %add3A_220, %mul3A_221 : i32
        %add3A_223 = arith.addi %mul3A_4, %mul3A_222 : i32
        %dma_wait3A_224 = tpu.memref_slice %arg2[%add3A_223] : memref<3276800xi32, #tpu.memory_space<hbm>> -> memref<800xi32, #tpu.memory_space<hbm>>
        %dma_wait3A_225 = tpu.memref_slice %arg2[%add3A_223] : memref<3276800xi32, #tpu.memory_space<hbm>> -> memref<800xi32, #tpu.memory_space<hbm>>
        tpu.wait_dma2 semaphore(%arg19 : memref<!tpu.dma_semaphore, #tpu.memory_space<semaphore_mem>>) src(%dma_wait3A_225 : memref<800xi32, #tpu.memory_space<hbm>>) dst(%arg9 : memref<800xi32, #tpu.memory_space<vmem>>)
        %dma_start3A_226 = arith.constant 0 : i32
        %dma_start3A_227 = arith.constant 0 : i32
        %dma_start3A_228 = tpu.memref_slice %arg5[%dma_start3A_226, %dma_start3A_227] : memref<1048576x32xf32, #tpu.memory_space<hbm>> -> memref<1048576x32xf32, #tpu.memory_space<hbm>>
        tpu.enqueue_indirect_dma source(%dma_start3A_228 : memref<1048576x32xf32, #tpu.memory_space<hbm>>) target(%arg13 : memref<800x32xf32, #tpu.memory_space<vmem>>) offsets(%arg9 : memref<800xi32, #tpu.memory_space<vmem>>) semaphore(%arg23 : memref<!tpu.dma_semaphore, #tpu.memory_space<semaphore_mem>>)
      } else {
      }
      %add3A_198 = arith.constant 4 : i32
      %add3A_199 = arith.addi %add3A_85, %add3A_198 : i32
      %add3A_200 = arith.constant 3 : i32
      %add3A_201 = arith.addi %add3A_199, %add3A_200 : i32
      %lt3A_202 = arith.constant 128 : i32
      %lt3A_203 = arith.cmpi slt, %add3A_201, %lt3A_202 : i32
      %convert_element_type3A_204 = arith.extui %lt3A_203 : i1 to i32
      %cond3A_205 = arith.constant 0 : i32
      %cond3A_206 = arith.cmpi ne, %convert_element_type3A_204, %cond3A_205 : i32
      scf.if %cond3A_206 {
        %add3A_207 = arith.constant 3 : i32
        %add3A_208 = arith.addi %add3A_85, %add3A_207 : i32
        %mul3A_209 = arith.constant 4 : i32
        %mul3A_210 = arith.muli %add3A_208, %mul3A_209 : i32
        %add3A_211 = arith.addi %mul3A_2, %mul3A_210 : i32
        %dma_wait3A_212 = arith.constant 0 : i32
        %dma_wait3A_213 = tpu.memref_slice %arg16[%add3A_211, %dma_wait3A_212] : memref<8192x32xf32, #tpu.memory_space<vmem_shared>> -> memref<4x32xf32, #tpu.memory_space<vmem_shared>>
        %dma_wait3A_214 = arith.constant 0 : i32
        %dma_wait3A_215 = arith.constant 0 : i32
        %dma_wait3A_216 = tpu.memref_slice %dma_wait3A_213[%dma_wait3A_214, %dma_wait3A_215] : memref<4x32xf32, #tpu.memory_space<vmem_shared>> -> memref<4x32xf32, #tpu.memory_space<vmem_shared>>
        tpu.wait_indirect_dma semaphore(%arg28 : memref<!tpu.dma_semaphore, #tpu.memory_space<semaphore_mem>>) src(%arg14 : memref<800x32xf32, #tpu.memory_space<vmem>>) dst(%dma_wait3A_216 : memref<4x32xf32, #tpu.memory_space<vmem_shared>>)
        %add3A_217 = arith.constant 4 : i32
        %add3A_218 = arith.addi %add3A_85, %add3A_217 : i32
        %add3A_219 = arith.constant 3 : i32
        %add3A_220 = arith.addi %add3A_218, %add3A_219 : i32
        %mul3A_221 = arith.constant 800 : i32
        %mul3A_222 = arith.muli %add3A_220, %mul3A_221 : i32
        %add3A_223 = arith.addi %mul3A_4, %mul3A_222 : i32
        %dma_wait3A_224 = tpu.memref_slice %arg2[%add3A_223] : memref<3276800xi32, #tpu.memory_space<hbm>> -> memref<800xi32, #tpu.memory_space<hbm>>
        %dma_wait3A_225 = tpu.memref_slice %arg2[%add3A_223] : memref<3276800xi32, #tpu.memory_space<hbm>> -> memref<800xi32, #tpu.memory_space<hbm>>
        tpu.wait_dma2 semaphore(%arg20 : memref<!tpu.dma_semaphore, #tpu.memory_space<semaphore_mem>>) src(%dma_wait3A_225 : memref<800xi32, #tpu.memory_space<hbm>>) dst(%arg10 : memref<800xi32, #tpu.memory_space<vmem>>)
        %dma_start3A_226 = arith.constant 0 : i32
        %dma_start3A_227 = arith.constant 0 : i32
        %dma_start3A_228 = tpu.memref_slice %arg5[%dma_start3A_226, %dma_start3A_227] : memref<1048576x32xf32, #tpu.memory_space<hbm>> -> memref<1048576x32xf32, #tpu.memory_space<hbm>>
        tpu.enqueue_indirect_dma source(%dma_start3A_228 : memref<1048576x32xf32, #tpu.memory_space<hbm>>) target(%arg14 : memref<800x32xf32, #tpu.memory_space<vmem>>) offsets(%arg10 : memref<800xi32, #tpu.memory_space<vmem>>) semaphore(%arg24 : memref<!tpu.dma_semaphore, #tpu.memory_space<semaphore_mem>>)
      } else {
      }
    }
    %scan3A_50 = arith.constant 32 : i32
    %add3A_51 = arith.constant 496 : i32
    %add3A_52 = arith.addi %mul3A_2, %add3A_51 : i32
    %dma_wait3A_53 = arith.constant 0 : i32
    %dma_wait3A_54 = tpu.memref_slice %arg16[%add3A_52, %dma_wait3A_53] : memref<8192x32xf32, #tpu.memory_space<vmem_shared>> -> memref<4x32xf32, #tpu.memory_space<vmem_shared>>
    %dma_wait3A_55 = arith.constant 0 : i32
    %dma_wait3A_56 = arith.constant 0 : i32
    %dma_wait3A_57 = tpu.memref_slice %dma_wait3A_54[%dma_wait3A_55, %dma_wait3A_56] : memref<4x32xf32, #tpu.memory_space<vmem_shared>> -> memref<4x32xf32, #tpu.memory_space<vmem_shared>>
    tpu.wait_indirect_dma semaphore(%arg25 : memref<!tpu.dma_semaphore, #tpu.memory_space<semaphore_mem>>) src(%arg11 : memref<800x32xf32, #tpu.memory_space<vmem>>) dst(%dma_wait3A_57 : memref<4x32xf32, #tpu.memory_space<vmem_shared>>)
    %add3A_58 = arith.constant 500 : i32
    %add3A_59 = arith.addi %mul3A_2, %add3A_58 : i32
    %dma_wait3A_60 = arith.constant 0 : i32
    %dma_wait3A_61 = tpu.memref_slice %arg16[%add3A_59, %dma_wait3A_60] : memref<8192x32xf32, #tpu.memory_space<vmem_shared>> -> memref<4x32xf32, #tpu.memory_space<vmem_shared>>
    %dma_wait3A_62 = arith.constant 0 : i32
    %dma_wait3A_63 = arith.constant 0 : i32
    %dma_wait3A_64 = tpu.memref_slice %dma_wait3A_61[%dma_wait3A_62, %dma_wait3A_63] : memref<4x32xf32, #tpu.memory_space<vmem_shared>> -> memref<4x32xf32, #tpu.memory_space<vmem_shared>>
    tpu.wait_indirect_dma semaphore(%arg26 : memref<!tpu.dma_semaphore, #tpu.memory_space<semaphore_mem>>) src(%arg12 : memref<800x32xf32, #tpu.memory_space<vmem>>) dst(%dma_wait3A_64 : memref<4x32xf32, #tpu.memory_space<vmem_shared>>)
    %add3A_65 = arith.constant 504 : i32
    %add3A_66 = arith.addi %mul3A_2, %add3A_65 : i32
    %dma_wait3A_67 = arith.constant 0 : i32
    %dma_wait3A_68 = tpu.memref_slice %arg16[%add3A_66, %dma_wait3A_67] : memref<8192x32xf32, #tpu.memory_space<vmem_shared>> -> memref<4x32xf32, #tpu.memory_space<vmem_shared>>
    %dma_wait3A_69 = arith.constant 0 : i32
    %dma_wait3A_70 = arith.constant 0 : i32
    %dma_wait3A_71 = tpu.memref_slice %dma_wait3A_68[%dma_wait3A_69, %dma_wait3A_70] : memref<4x32xf32, #tpu.memory_space<vmem_shared>> -> memref<4x32xf32, #tpu.memory_space<vmem_shared>>
    tpu.wait_indirect_dma semaphore(%arg27 : memref<!tpu.dma_semaphore, #tpu.memory_space<semaphore_mem>>) src(%arg13 : memref<800x32xf32, #tpu.memory_space<vmem>>) dst(%dma_wait3A_71 : memref<4x32xf32, #tpu.memory_space<vmem_shared>>)
    %add3A_72 = arith.constant 508 : i32
    %add3A_73 = arith.addi %mul3A_2, %add3A_72 : i32
    %dma_wait3A_74 = arith.constant 0 : i32
    %dma_wait3A_75 = tpu.memref_slice %arg16[%add3A_73, %dma_wait3A_74] : memref<8192x32xf32, #tpu.memory_space<vmem_shared>> -> memref<4x32xf32, #tpu.memory_space<vmem_shared>>
    %dma_wait3A_76 = arith.constant 0 : i32
    %dma_wait3A_77 = arith.constant 0 : i32
    %dma_wait3A_78 = tpu.memref_slice %dma_wait3A_75[%dma_wait3A_76, %dma_wait3A_77] : memref<4x32xf32, #tpu.memory_space<vmem_shared>> -> memref<4x32xf32, #tpu.memory_space<vmem_shared>>
    tpu.wait_indirect_dma semaphore(%arg28 : memref<!tpu.dma_semaphore, #tpu.memory_space<semaphore_mem>>) src(%arg14 : memref<800x32xf32, #tpu.memory_space<vmem>>) dst(%dma_wait3A_78 : memref<4x32xf32, #tpu.memory_space<vmem_shared>>)
    %mul3A_79 = arith.constant 512 : i32
    %mul3A_80 = arith.muli %add3A, %mul3A_79 : i32
    "tpu.region"() ({
      %run_scoped3A = tpu.sem_alloc : memref<!tpu.dma_semaphore, #tpu.memory_space<semaphore_mem>>
      %dma_start3A_81 = arith.constant 0 : i32
      %dma_start3A_82 = tpu.memref_slice %arg6[%mul3A_80, %dma_start3A_81] : memref<16384x32xf32, #tpu.memory_space<hbm>> -> memref<512x32xf32, #tpu.memory_space<hbm>>
      %dma_start3A_83 = arith.constant 0 : i32
      %dma_start3A_84 = tpu.memref_slice %arg16[%mul3A_2, %dma_start3A_83] : memref<8192x32xf32, #tpu.memory_space<vmem_shared>> -> memref<512x32xf32, #tpu.memory_space<vmem_shared>>
      tpu.enqueue_dma source(%dma_start3A_84 : memref<512x32xf32, #tpu.memory_space<vmem_shared>>) target(%dma_start3A_82 : memref<512x32xf32, #tpu.memory_space<hbm>>) target_semaphore(%run_scoped3A : memref<!tpu.dma_semaphore, #tpu.memory_space<semaphore_mem>>)
      %dma_wait3A_85 = arith.constant 0 : i32
      %dma_wait3A_86 = tpu.memref_slice %arg6[%mul3A_80, %dma_wait3A_85] : memref<16384x32xf32, #tpu.memory_space<hbm>> -> memref<512x32xf32, #tpu.memory_space<hbm>>
      %dma_wait3A_87 = arith.constant 0 : i32
      %dma_wait3A_88 = tpu.memref_slice %arg16[%mul3A_2, %dma_wait3A_87] : memref<8192x32xf32, #tpu.memory_space<vmem_shared>> -> memref<512x32xf32, #tpu.memory_space<vmem_shared>>
      tpu.wait_dma2 semaphore(%run_scoped3A : memref<!tpu.dma_semaphore, #tpu.memory_space<semaphore_mem>>) src(%dma_wait3A_88 : memref<512x32xf32, #tpu.memory_space<vmem_shared>>) dst(%dma_wait3A_86 : memref<512x32xf32, #tpu.memory_space<hbm>>)
      tpu.yield
    }) : () -> ()
    return
  }
}

module attributes {stable_mosaic.version = 14 : i64} {
  func.func @body(%arg0: i32, %arg1: memref<32x65536xf32, #tpu.memory_space<vmem>>, %arg2: memref<16384x128xf32, #tpu.memory_space<vmem>>) attributes {dimension_semantics = [#tpu.dimension_semantics<arbitrary>], iteration_bounds = array<i64: 16>, scalar_prefetch = 0 : i64, scratch_operands = 0 : i64, tpu.core_type = #tpu.core_type<tc>, window_params = [{transform_indices = @transform_0, window_bounds = array<i64: 32, 65536>}, {transform_indices = @transform_1, window_bounds = array<i64: 16384, 128>}]} {
    %get3A = arith.constant 0 : index
    %get3A_0 = arith.constant 0 : index
    %get3A_1 = vector.load %arg1[%get3A, %get3A_0] : memref<32x65536xf32, #tpu.memory_space<vmem>>, vector<32x65536xf32>
    %slice3A = vector.extract_strided_slice %get3A_1 {offsets = [0, 0], sizes = [32, 16384], strides = [1, 1]} : vector<32x65536xf32> to vector<32x16384xf32>
    %slice3A_2 = vector.extract_strided_slice %get3A_1 {offsets = [0, 16384], sizes = [32, 16384], strides = [1, 1]} : vector<32x65536xf32> to vector<32x16384xf32>
    %slice3A_3 = vector.extract_strided_slice %get3A_1 {offsets = [0, 32768], sizes = [32, 16384], strides = [1, 1]} : vector<32x65536xf32> to vector<32x16384xf32>
    %slice3A_4 = vector.extract_strided_slice %get3A_1 {offsets = [0, 49152], sizes = [32, 16384], strides = [1, 1]} : vector<32x65536xf32> to vector<32x16384xf32>
    %concatenate3A = tpu.concatenate %slice3A, %slice3A_2, %slice3A_3, %slice3A_4 in 0 : vector<32x16384xf32>, vector<32x16384xf32>, vector<32x16384xf32>, vector<32x16384xf32> -> vector<128x16384xf32>
    %transpose3A = tpu.transpose %concatenate3A, [1, 0] : vector<128x16384xf32> -> vector<16384x128xf32>
    %swap3A = arith.constant 0 : index
    %swap3A_5 = arith.constant 0 : index
    %swap3A_6 = vector.load %arg2[%swap3A, %swap3A_5] : memref<16384x128xf32, #tpu.memory_space<vmem>>, vector<16384x128xf32>
    tpu.vector_store %arg2[%swap3A, %swap3A_5], %transpose3A {strides = array<i32>} : memref<16384x128xf32, #tpu.memory_space<vmem>>, vector<16384x128xf32>,
    return
  }
  func.func @transform_0(%arg0: i32) -> (i32, i32) {
    %c0_i32 = arith.constant 0 : i32
    %c0_i32_0 = arith.constant 0 : i32
    return %c0_i32, %arg0 : i32, i32
  }
  func.func @transform_1(%arg0: i32) -> (i32, i32) {
    %c0_i32 = arith.constant 0 : i32
    %c0_i32_0 = arith.constant 0 : i32
    return %arg0, %c0_i32 : i32, i32
  }
}

module attributes {stable_mosaic.version = 14 : i64} {
  func.func @body(%arg0: i32, %arg1: memref<2048x32xf32, #tpu.memory_space<vmem>>, %arg2: memref<128x32xf32, #tpu.memory_space<vmem>>, %arg3: memref<1x128xf32, #tpu.memory_space<vmem>>, %arg4: memref<2048x128xf32, #tpu.memory_space<vmem>>) attributes {dimension_semantics = [#tpu.dimension_semantics<arbitrary>], iteration_bounds = array<i64: 8>, scalar_prefetch = 0 : i64, scratch_operands = 0 : i64, tpu.core_type = #tpu.core_type<tc>, window_params = [{transform_indices = @transform_0, window_bounds = array<i64: 2048, 32>}, {pipeline_mode = #tpu.pipeline_mode<synchronous>, transform_indices = @transform_1, window_bounds = array<i64: 128, 32>}, {pipeline_mode = #tpu.pipeline_mode<synchronous>, transform_indices = @transform_2, window_bounds = array<i64: 1, 128>}, {transform_indices = @transform_3, window_bounds = array<i64: 2048, 128>}]} {
    %get3A = arith.constant 0 : index
    %get3A_0 = arith.constant 0 : index
    %get3A_1 = vector.load %arg1[%get3A, %get3A_0] : memref<2048x32xf32, #tpu.memory_space<vmem>>, vector<2048x32xf32>
    %mul3A = arith.constant 5.000000e-03 : f32
    %mul3A_2 = vector.broadcast %mul3A : f32 to vector<2048x32xf32>
    %mul3A_3 = arith.mulf %get3A_1, %mul3A_2 : vector<2048x32xf32>
    %get3A_4 = arith.constant 0 : index
    %get3A_5 = arith.constant 0 : index
    %get3A_6 = vector.load %arg2[%get3A_4, %get3A_5] : memref<128x32xf32, #tpu.memory_space<vmem>>, vector<128x32xf32>
    %dot_general3A = arith.constant dense<0.000000e+00> : vector<2048x128xf32>
    %dot_general3A_7 = tpu.matmul %mul3A_3, %get3A_6, %dot_general3A {dimension_numbers = #tpu.dot_dimension_numbers<[1], [1], [0], [0], [0, 0, 1, 0], [], []>, precision = #tpu.contract_precision<fp32>, transpose_lhs_hint = false} : vector<2048x32xf32>, vector<128x32xf32>, vector<2048x128xf32> -> vector<2048x128xf32>
    %get3A_8 = arith.constant 0 : index
    %get3A_9 = arith.constant 0 : index
    %get3A_10 = vector.load %arg3[%get3A_8, %get3A_9] : memref<1x128xf32, #tpu.memory_space<vmem>>, vector<1x128xf32>
    %add3A = vector.broadcast %get3A_10 : vector<1x128xf32> to vector<2048x128xf32>
    %add3A_11 = arith.addf %dot_general3A_7, %add3A : vector<2048x128xf32>
    %reduce_max3A = arith.constant dense<0xFF800000> : vector<2048xf32>
    %reduce_max3A_12 = vector.multi_reduction <maximumf>, %add3A_11, %reduce_max3A [1] : vector<2048x128xf32> to vector<2048xf32>
    %broadcast_in_dim3A = vector.shape_cast %reduce_max3A_12 : vector<2048xf32> to vector<2048x1xf32>
    %sub3A = vector.broadcast %broadcast_in_dim3A : vector<2048x1xf32> to vector<2048x128xf32>
    %sub3A_13 = arith.subf %add3A_11, %sub3A : vector<2048x128xf32>
    %exp3A = math.exp %sub3A_13 : vector<2048x128xf32>
    %reduce_sum3A = arith.constant dense<0.000000e+00> : vector<2048xf32>
    %reduce_sum3A_14 = vector.multi_reduction <add>, %exp3A, %reduce_sum3A [1] : vector<2048x128xf32> to vector<2048xf32>
    %broadcast_in_dim3A_15 = vector.shape_cast %reduce_sum3A_14 : vector<2048xf32> to vector<2048x1xf32>
    %log3A = math.log %broadcast_in_dim3A_15 : vector<2048x1xf32>
    %add3A_16 = arith.addf %log3A, %broadcast_in_dim3A : vector<2048x1xf32>
    %sub3A_17 = vector.broadcast %add3A_16 : vector<2048x1xf32> to vector<2048x128xf32>
    %sub3A_18 = arith.subf %add3A_11, %sub3A_17 : vector<2048x128xf32>
    %swap3A = arith.constant 0 : index
    %swap3A_19 = arith.constant 0 : index
    %swap3A_20 = vector.load %arg4[%swap3A, %swap3A_19] : memref<2048x128xf32, #tpu.memory_space<vmem>>, vector<2048x128xf32>
    tpu.vector_store %arg4[%swap3A, %swap3A_19], %sub3A_18 {strides = array<i32>} : memref<2048x128xf32, #tpu.memory_space<vmem>>, vector<2048x128xf32>,
    return
  }
  func.func @transform_0(%arg0: i32) -> (i32, i32) {
    %c0_i32 = arith.constant 0 : i32
    %c0_i32_0 = arith.constant 0 : i32
    return %arg0, %c0_i32 : i32, i32
  }
  func.func @transform_1(%arg0: i32) -> (i32, i32) {
    %c0_i32 = arith.constant 0 : i32
    %c0_i32_0 = arith.constant 0 : i32
    %c0_i32_1 = arith.constant 0 : i32
    return %c0_i32, %c0_i32_0 : i32, i32
  }
  func.func @transform_2(%arg0: i32) -> (i32, i32) {
    %c0_i32 = arith.constant 0 : i32
    %c0_i32_0 = arith.constant 0 : i32
    %c0_i32_1 = arith.constant 0 : i32
    return %c0_i32, %c0_i32_0 : i32, i32
  }
  func.func @transform_3(%arg0: i32) -> (i32, i32) {
    %c0_i32 = arith.constant 0 : i32
    %c0_i32_0 = arith.constant 0 : i32
    return %arg0, %c0_i32 : i32, i32
  }
}

</mosaic_0001>

<sc_bundles>
// kernel: kernel.5.cloned.1.call-start
scs
__scs_entry_jumppad:
0x0: {  	(pc) =	sbr.rel $0x88, $3  }
0x1: {  	(tag) =	ssettag $0x0;
	lr =	simm.s32 $0x1  }
0x2: {  	[smem:$0x3F9D] =	sst lr;
	_ =	strace $0xD0000000  }
0x3: {  	_ = 	snop  }
0x4: {  	_ = 	snop  }
0x5: {  	_ = 	snop  }
0x6: {  	_ = 	snop  }
0x7: {  	_ = 	snop  }
__scs_overlays_trampoline_lowered:
0x8: {  	[smem:$0x3FAC] =	sst s0  }
0x9: {  	[smem:$0x3FAD] =	sst s1  }
0xa: {  	[smem:$0x3FAE] =	sst s2  }
0xb: {  	[smem:$0x3FAF] =	sst s3  }
0xc: {  	[smem:$0x3FB0] =	sst s4  }
0xd: {  	[smem:$0x3FB1] =	sst s5  }
0xe: {  	[smem:$0x3FB2] =	sst s6  }
0xf: {  	[smem:$0x3FB3] =	sst s7  }
0x10: {  	[smem:$0x3FB4] =	sst s8  }
0x11: {  	[smem:$0x3FB5] =	sst s9;
	s0 =	simm.s32 @!p0 $0x0  }
0x12: {  	s1 =	sld [smem:$0x3F9B];
	s0 =	simm.s32 @p0 $0x1  }
0x13: {  	[smem:$0x3FB6] =	sst s0;
	s0 =	simm.s32 @!p1 $0x0  }
0x14: {  	s2 =	sld [smem:$0x3F9A];
	s0 =	simm.s32 @p1 $0x1  }
0x15: {  	[smem:$0x3FB7] =	sst s0;
	s0 =	simm.s32 @!p2 $0x0  }
0x16: {  	s3 =	sld [smem:$0x3FDB];
	s0 =	simm.s32 @p2 $0x1  }
0x17: {  	s4 =	simm.s32 $0x1BF5;
	[smem:$0x3FB9] =	sst s0  }
0x18: {  	s0 =	sld [smem:$0x3F9C];
	_ =	swait.ge [sflag:s4], $0x0  }
0x19: {  	s7 =	sld [smem:$0x3F9D]  }
0x1a: {  	s8 =	sadd.s32 $0xFFFFE003, lr  }
0x1b: {  	s9 =	sadd.s32 $0xFFFFFEF7, lr;
	s5 =	simm.s32 $0xFFFFFFFF;
	p2 =	slt.u32 s8, $0xFFFFF086  }
0x1c: {  	p1 =	slt.u32 s9, $0xF7A;
	s5 =	simm.s32 @!p2 $0x0  }
0x1d: {  	s5 =	simm.s32 @p1 $0x1;
	p0 =	seq.s32 s7, s2  }
0x1e: {  	s7 =	smul.u32 @!p0 $0xF7A, s2;
	p2 =	seq.s32 @!p0 s5, $0x0  }
0x1f: {  	s9 =	smul.u32 $0xF7A, s1;
	s8 =	simm.s32 @!p0 $0x1BF5;
	p2 =	por !p2, p0  }
0x20: {  	[sflag:s8] =	ssyncset.s32 @!p0 $0xFFFFF086;
	s6 =	sadd.s32 @!p0 s3, s7;
	s7 =	simm.s32 @!p0 $0x108  }
0x21: {  	s3 =	sadd.s32 s3, s9;
	s6 =	sadd.s32 @!p0 $0x88, s6;
	s7 =	simm.s32 @p2 $0x1082  }
0x22: {  	[simem:s7], [sflag:s8] =	dma.local @!p0 [hbm:s6], $0xF7A  }
0x23: {  	s9 =	sor.u32 $0xD0000000, s2;
	s6 =	simm.s32 $0x108;
	_ =	swait.ge @!p0 [sflag:s8], $0x0  }
0x24: {  	s3 =	sadd.s32 $0x88, s3;
	s6 =	simm.s32 @!p1 $0x1082;
	[sflag:s4] =	ssyncset.s32 $0xFFFFF086  }
0x25: {  	[simem:s6], [sflag:s4] =	dma.local [hbm:s3], $0xF7A  }
0x26: {  	[smem:$0x3F9D] =	sst s1;
	(tag) =	ssettag s2;
	_ =	strace s9  }
0x27: {  	s1 =	sld [smem:$0x3FAD]  }
0x28: {  	s2 =	sld [smem:$0x3FAE]  }
0x29: {  	s4 =	sld [smem:$0x3FB0]  }
0x2a: {  	p0 =	seq.s32 s5, $0x0;
	s5 =	sld [smem:$0x3FB1]  }
0x2b: {  	s6 =	sld [smem:$0x3FB2]  }
0x2c: {  	s7 =	sld [smem:$0x3FB3]  }
0x2d: {  	s3 =	simm.s32 $0x108;
	s8 =	sld [smem:$0x3FB4]  }
0x2e: {  	s3 =	simm.s32 @!p0 $0x1082;
	s9 =	sld [smem:$0x3FB5]  }
0x2f: {  	lr =	sadd.s32 s0, s3;
	s0 =	sld [smem:$0x3FAC]  }
0x30: {  	s3 =	sld [smem:$0x3FAF]  }
0x31: {  	[smem:$0x3FB8] =	sst s10  }
0x32: {  	s10 =	sld [smem:$0x3FB6];
	_ =	sdelay $0x3  }
0x33: {  	p0 =	seq.s32 s10, $0x1;
	s10 =	sld [smem:$0x3FB8];
	_ =	sdelay $0x3  }
0x34: {  	[smem:$0x3FB8] =	sst s10  }
0x35: {  	s10 =	sld [smem:$0x3FB7];
	_ =	sdelay $0x3  }
0x36: {  	p1 =	seq.s32 s10, $0x1;
	s10 =	sld [smem:$0x3FB8];
	_ =	sdelay $0x3  }
0x37: {  	[smem:$0x3FB8] =	sst s10  }
0x38: {  	s10 =	sld [smem:$0x3FB9]  }
0x39: {  	_ = 	snop;
	(pc) =	sbr.ind lr, $3  }
0x3a: {  	_ = 	snop  }
0x3b: {  	_ = 	snop  }
0x3c: {  	p2 =	seq.s32 s10, $0x1;
	s10 =	sld [smem:$0x3FB8]  }
0x3d: {  	_ =	shalt  }
0x3e: {  	_ =	shalt  }
0x3f: {  	_ =	shalt  }
0x40: {  	_ =	shalt  }
0x41: {  	_ =	shalt  }
0x42: {  	_ =	shalt  }
0x43: {  	_ =	shalt  }
0x44: {  	_ =	shalt  }
0x45: {  	_ =	shalt  }
0x46: {  	_ =	shalt  }
0x47: {  	_ =	shalt  }
0x48: {  	_ =	shalt  }
0x49: {  	_ =	shalt  }
0x4a: {  	_ =	shalt  }
0x4b: {  	_ =	shalt  }
0x4c: {  	_ =	shalt  }
0x4d: {  	_ =	shalt  }
0x4e: {  	_ =	shalt  }
0x4f: {  	_ =	shalt  }
0x50: {  	_ =	shalt  }
0x51: {  	_ =	shalt  }
0x52: {  	_ =	shalt  }
0x53: {  	_ =	shalt  }
0x54: {  	_ =	shalt  }
0x55: {  	_ =	shalt  }
0x56: {  	_ =	shalt  }
0x57: {  	_ =	shalt  }
0x58: {  	_ =	shalt  }
0x59: {  	_ =	shalt  }
0x5a: {  	_ =	shalt  }
0x5b: {  	_ =	shalt  }
0x5c: {  	_ =	shalt  }
0x5d: {  	_ =	shalt  }
0x5e: {  	_ =	shalt  }
0x5f: {  	_ =	shalt  }
0x60: {  	_ =	shalt  }
0x61: {  	_ =	shalt  }
0x62: {  	_ =	shalt  }
0x63: {  	_ =	shalt  }
0x64: {  	_ =	shalt  }
0x65: {  	_ =	shalt  }
0x66: {  	_ =	shalt  }
0x67: {  	_ =	shalt  }
0x68: {  	_ =	shalt  }
0x69: {  	_ =	shalt  }
0x6a: {  	_ =	shalt  }
0x6b: {  	_ =	shalt  }
0x6c: {  	_ =	shalt  }
0x6d: {  	_ =	shalt  }
0x6e: {  	_ =	shalt  }
0x6f: {  	_ =	shalt  }
0x70: {  	_ =	shalt  }
0x71: {  	_ =	shalt  }
0x72: {  	_ =	shalt  }
0x73: {  	_ =	shalt  }
0x74: {  	_ =	shalt  }
0x75: {  	_ =	shalt  }
0x76: {  	_ =	shalt  }
0x77: {  	_ =	shalt  }
0x78: {  	_ =	shalt  }
0x79: {  	_ =	shalt  }
0x7a: {  	_ =	shalt  }
0x7b: {  	_ =	shalt  }
0x7c: {  	_ =	shalt  }
0x7d: {  	_ =	shalt  }
0x7e: {  	_ =	shalt  }
0x7f: {  	_ =	shalt  }
0x80: {  	_ =	shalt  }
0x81: {  	_ =	shalt  }
0x82: {  	_ =	shalt  }
0x83: {  	_ =	shalt  }
0x84: {  	_ =	shalt  }
0x85: {  	_ =	shalt  }
0x86: {  	_ =	shalt  }
0x87: {  	_ =	shalt  }
.Lfunc_end0:
.L_simem_size_0:
called_computation_lowered:
.L_overlay_start_0:
0x88: {  	s2 =	sld [smem:$0x3FD9]  }
0x89: {  	s3 =	sld [smem:$0x3FFE];
	_ =	sdelay $0x1  }
0x8a: {  	s1 =	srdreg.scid  }
0x8b: {  	s0 =	sand.u32 $0x1, s1  }
0x8c: {  	s17 =	sshll.u32 s0, $0xA;
	s2 =	sadd.s32 s3, s2  }
0x8d: {  	s2 =	sadd.s32 s2, s17  }
0x8e: {  	[smem:$0x3FC4] =	sst s2  }
0x8f: {  	_ = 	snop  }
0x90: {  	s2 =	sld [smem:$0x3FD0];
	(tm) =	ssettm $0x1  }
0x91: {  	s18 =	sld [smem:$0x3FFB];
	_ =	sdelay $0x3  }
0x92: {  	_ =	strace s18  }
0x93: {  	s3 =	sld [smem:$0x3FFC];
	_ =	sdelay $0x3  }
0x94: {  	_ =	strace s3  }
0x95: {  	s3 =	sld [smem:$0x3FFD];
	_ =	sdelay $0x3  }
0x96: {  	_ =	strace s3  }
0x97: {  	_ =	strace $0x8FFFFFFF  }
0x98: {  	s19 =	sld [smem:$0x3FDB];
	_ =	sdelay $0x1  }
0x99: {  	s4 =	simm.s32 $_scs_section_size  }
0x9a: {  	s5 =	simm.s32 $_size__tile_overlayer_lowered;
	s6 =	simm.s32 $_tile_overlayer_lowered  }
0x9b: {  	s22 =	simm.s32 $0x1BFF;
	s21 =	sshll.u32 s6, $0x1;
	s3 =	sadd.s32 s4, s19  }
0x9c: {  	s7 =	simm.s32 $0x0;
	s20 =	sshll.u32 s5, $0x1;
	s5 =	sadd.s32 s21, s3  }
0x9d: {  	[timem:s7], [sflag:s22] =	dma.local [hbm:s5], s20  }
0x9e: {  	_ =	swait.ge [sflag:s22], s20  }
0x9f: {  	s4 =	ssub.s32 $0x0, s20;
	[sflag:s22] =	ssyncset.done $0x0  }
0xa0: {  	[sflag:s22] =	ssyncadd.s32 s4;
	_ =	sdelay $0x1  }
0xa1: {  	s23 =	simm.s32 $0x1B8B  }
0xa2: {  	_ =	swait.ge [sflag:s23], $0x1  }
0xa3: {  	[sflag:s23] =	ssyncset.done $0x0  }
0xa4: {  	s25 =	simm.s32 $0x1B8E;
	s24 =	sld [smem:$0x3FFE];
	[sflag:s23] =	ssyncadd.s32 $0xFFFFFFFF  }
0xa5: {  	s26 =	simm.s32 $execute0_lowered;
	[smem:$0x3FD2] =	sst s25  }
0xa6: {  	s5 =	sshll.u32 s26, $0x1;
	_ =	strace $0x80000046;
	[dreg:$0x1] =	wrdreg $0xFFFFFFFF  }
0xa7: {  	s28 =	simm.s32 $_size_execute0_lowered;
	s3 =	sadd.s32 s3, s5;
	[dreg:$0x0] =	wrdreg $0x0  }
0xa8: {  	s5 =	sshll.u32 s28, $0x1;
	[dreg:$0x2] =	wrdreg s3  }
0xa9: {  	[dreg:$0x3] =	wrdreg s5  }
0xaa: {  	[dreg:$0x4] =	wrdreg $0xC0  }
0xab: {  	_ =	task [dreg:s7], $0x5FFFF  }
0xac: {  	[dreg:$0x1] =	wrdreg $0xFFFFFFFF  }
0xad: {  	[dreg:$0x0] =	wrdreg $0x60  }
0xae: {  	[dreg:$0x2] =	wrdreg s24  }
0xaf: {  	[dreg:$0x3] =	wrdreg s2  }
0xb0: {  	[dreg:$0x4] =	wrdreg $0x19FA00  }
0xb1: {  	[dreg:$0x5] =	wrdreg $0x9  }
0xb2: {  	_ =	task.clear_ibuf [dreg:s7], $0x6FFFF;
	_ =	strace $0x90000046  }
0xb3: {  	s29 =	simm.s32 $0x9;
	_ =	strace $0x80000048  }
0xb4: {  	_ =	swait.ge [sflag:s29], $0x1  }
0xb5: {  	[sflag:s29] =	ssyncadd.s32 $0xFFFFFFFF  }
0xb6: {  	_ =	strace $0x90000048  }
0xb7: {  	_ =	sfence  }
0xb8: {  	s30 =	sld [smem:$0x0];
	_ =	sdelay $0x2  }
0xb9: {  	s31 =	sshll.u32 s1, $0xD;
	s1 =	sshrl.u32 s1, $0x2  }
0xba: {  	s3 =	sand.u32 $0x4000, s31;
	s1 =	sadd.s32 s1, s30  }
0xbb: {  	s0 =	sor.u32 s3, s0;
	s1 =	sshll.u32 s1, $0x11  }
0xbc: {  	s0 =	sor.u32 s1, s0  }
0xbd: {  	s0 =	sadd.s32 $0x8F2B, s0  }
0xbe: {  	[sflag:s0] =	ssyncadd.remote.s32 $0x1  }
0xbf: {  	_ =	sfence.sel $0xFFFF  }
0xc0: {  	[dreg:$0x0] =	wrdreg $0xFFFFFFFF;
	(pc) =	sbr.abs _section_cstart, $3  }
0xc1: {  	[dreg:$0x1] =	wrdreg $0xFFFFFFFF  }
0xc2: {  	_ =	task.clear_ibuf [dreg:s7], $0x2FFFF;
	_ =	strace $0x9FFFFFFF  }
0xc3: {  	(tm) =	ssettm $0x7FFFFFFF  }
tec
execute0_lowered:
.L_overlay_start_1:
0x0: {  	(tag) =	ssettag $0x1  }
0x1: {  	s0 =	rddreg [dreg:$0x0]  }
0x2: {  	s2 =	rddreg [dreg:$0x1]  }
0x3: {  	s3 =	rddreg [dreg:$0x2];
	s1 =	simm.s32 $0x0;
	s4 =	srdreg.scid  }
0x4: {  	s11 =	stileid.u32;
	s28 =	simm.s32 $0x2;
	s29 =	simm.s32 $0x7080  }
0x5: {  	s30 =	simm.s32 $0x3;
	[smem:$0x7FF] =	sst s1;
	s4 =	sand.u32 $0x1, s4  }
0x6: {  	s6 =	sadd.s32 $0xA00, s0;
	s25 =	sadd.s32 $0x800, s0;
	s26 =	sadd.s32 $0x464A00, s0  }
0x7: {  	s13 =	sshll.u32 s11, $0xE;
	s15 =	sshll.u32 s11, $0x6;
	s16 =	smul.u32 $0x19000, s11  }
0x8: {  	_ =	strace $0x80000047;
	s5 =	sshll.u32 s4, $0x4;
	[dreg:$0x4] =	wrdreg s25  }
0x9: {  	s7 =	ssub.s32 $0x2, s4;
	[dreg:$0x5] =	wrdreg s26;
	s4 =	smul.u32 $0x190000, s4  }
0xa: {  	s3 =	sadd.s32 s13, s3;
	s18 =	sor.u32 $0x1C0D, s15;
	s13 =	simm.s32 $0xC  }
0xb: {  	s8 =	sor.u32 s11, s5;
	s9 =	sshrl.u32 s7, $0x1;
	s5 =	sadd.s32 $0x64A00, s0  }
0xc: {  	s11 =	sadd.s32 $0x3F00, s3;
	[dreg:$0x7] =	wrdreg s18;
	s10 =	smul.u32 $0x19000, s8  }
0xd: {  	s31 =	ssub.s32 s7, s9;
	s4 =	sadd.s32 s16, s4;
	s21 =	sshll.u32 s8, $0xB  }
0xe: {  	s7 =	sshrl.u32 s3, $0x3;
	s8 =	simm.s32 $0x8;
	s9 =	simm.s32 $0x9  }
0xf: {  	s22 =	sadd.s32 $0x15E0, s4;
	s2 =	sadd.s32 s2, s21;
	s0 =	smax.u32 s31, $0x1  }
0x10: {  	s24 =	sadd.s32 $0x12C0, s4;
	s25 =	sor.u32 $0xFA0, s4;
	s4 =	sor.u32 $0xC80, s4  }
0x11: {  	s31 =	sadd.s32 $0x180, s3;
	s21 =	simm.s32 $0x19C80;
	[dreg:$0xe] =	wrdreg s7  }
0x12: {  	s3 =	simm.s32 $0x5;
	s14 =	sshrl.u32 s10, $0x3;
	[dreg:$0xb] =	wrdreg s2  }
0x13: {  	[dreg:$0xc] =	wrdreg s0;
	s23 =	sshrl.u32 s22, $0x3;
	s0 =	sshrl.u32 s24, $0x3  }
0x14: {  	s2 =	sshrl.u32 s25, $0x3;
	s26 =	sshrl.u32 s4, $0x3;
	[dreg:$0xd] =	wrdreg s31  }
0x15: {  	s22 =	simm.s32 $0x320;
	s24 =	simm.s32 $0x960;
	s25 =	simm.s32 $0x1  }
0x16: {  	s4 =	simm.s32 $0x6;
	s10 =	simm.s32 $0xA;
	s12 =	sadd.s32 s6, s14  }
0x17: {  	s14 =	sadd.s32 s23, s6;
	s15 =	sadd.s32 s0, s6;
	s16 =	sadd.s32 s2, s6  }
.Ltmp0:
0x18: {  	s17 =	sadd.s32 $0x64, s12;
	[dreg:$0x6] =	wrdreg s12;
	(pc) =	sbr.rel .LBB2_1-.Ltmp0, $4  }
0x19: {  	s0 =	simm.s32 $0x4;
	s19 =	sadd.s32 $0xC8, s12;
	[dreg:$0x8] =	wrdreg s17  }
0x1a: {  	s2 =	simm.s32 $0x13880;
	s20 =	sadd.s32 $0x12C, s12;
	[dreg:$0x9] =	wrdreg s19  }
0x1b: {  	s12 =	simm.s32 $0xB;
	[dreg:$0xa] =	wrdreg s20;
	s17 =	sadd.s32 s26, s6  }
0x1c: {  	s19 =	simm.s32 $0xD;
	s26 =	simm.s32 $0xC80;
	s20 =	simm.s32 $0x0  }
.LBB2_4:
0x1d: {  	_ =	swait.ge [sflag:s9], $0x6400  }
0x1e: {  	[sflag:s9] =	ssyncset.done $0x0  }
0x1f: {  	[sflag:s9] =	ssyncadd.s32 $0xFFFF9C00  }
0x20: {  	_ =	swait.ge [sflag:s10], $0x6400  }
0x21: {  	[sflag:s10] =	ssyncset.done $0x0  }
0x22: {  	[sflag:s10] =	ssyncadd.s32 $0xFFFF9C00  }
0x23: {  	_ =	swait.ge [sflag:s12], $0x6400  }
0x24: {  	[sflag:s12] =	ssyncset.done $0x0  }
0x25: {  	[sflag:s12] =	ssyncadd.s32 $0xFFFF9C00  }
0x26: {  	_ =	swait.ge [sflag:s13], $0x6400  }
0x27: {  	s18 =	rddreg [dreg:$0x7]  }
0x28: {  	[sflag:s13] =	ssyncset.done $0x0;
	s6 =	rddreg [dreg:$0xb]  }
0x29: {  	s19 =	simm.s32 $0xD;
	s7 =	rddreg [dreg:$0xe];
	[sflag:s13] =	ssyncadd.s32 $0xFFFF9C00  }
0x2a: {  	[hbm:s6], [sflag:s18] =	dma.local [spmem:s7], $0x800  }
0x2b: {  	_ =	swait.ge [sflag:s19], $0x800  }
0x2c: {  	s20 =	rddreg [dreg:$0xf]  }
0x2d: {  	s31 =	rddreg [dreg:$0xc];
	s20 =	sadd.s32 $0x1, s20  }
0x2e: {  	p0 =	sne.s32 s20, s31  }
.Ltmp1:
0x2f: {  	_ = 	snop;
	(pc) =	sbr.rel @!p0 .LBB2_5-.Ltmp1, $3  }
0x30: {  	_ =	sdelay $0x1  }
0x31: {  	[sflag:s19] =	ssyncset.done $0x0  }
0x32: {  	[sflag:s19] =	ssyncadd.s32 $0xFFFFF800  }
.LBB2_1:
0x33: {  	[dreg:$0xf] =	wrdreg s20  }
0x34: {  	s6 =	rddreg [dreg:$0x5]  }
0x35: {  	[spmem:s7], [sflag:s18] =	dma.local [hbm:s6], $0x800  }
0x36: {  	_ =	swait.ge [sflag:s19], $0x800  }
0x37: {  	[sflag:s19] =	ssyncset.done $0x0  }
0x38: {  	s31 =	rddreg [dreg:$0x4];
	[sflag:s19] =	ssyncadd.s32 $0xFFFFF800  }
0x39: {  	[tilespmem:s21], [sflag:$0xD] =	stream.linear.gather [hbm4b:s31+s1], $0x320, $0x38;
	[tilespmem:$0x1DFA0] =	vst v63  }
0x3a: {  	_ =	swait.ge [sflag:s19], $0x320  }
0x3b: {  	[sflag:s19] =	ssyncset.done $0x0  }
0x3c: {  	s7 =	rddreg [dreg:$0x6];
	[sflag:s19] =	ssyncadd.s32 $0xFFFFFCE0  }
0x3d: {  	[tilespmem:s1], [sflag:$0x1] =	stream.linear.gather [hbm4b:s7+s1], $0x320, $0x38;
	[tilespmem:$0x1DFA0] =	vst v63  }
0x3e: {  	s18 =	rddreg [dreg:$0x8]  }
0x3f: {  	[tilespmem:s22], [sflag:$0x2] =	stream.linear.gather [hbm4b:s18+s1], $0x320, $0x38;
	[tilespmem:$0x1DFA0] =	vst v63  }
0x40: {  	s20 =	simm.s32 $0x640;
	s19 =	rddreg [dreg:$0x9]  }
0x41: {  	[tilespmem:s20], [sflag:$0x3] =	stream.linear.gather [hbm4b:s19+s1], $0x320, $0x38;
	[tilespmem:$0x1DFA0] =	vst v63  }
0x42: {  	s23 =	rddreg [dreg:$0xa]  }
0x43: {  	[tilespmem:s24], [sflag:$0x4] =	stream.linear.gather [hbm4b:s23+s1], $0x320, $0x38;
	[tilespmem:$0x1DFA0] =	vst v63  }
0x44: {  	_ =	swait.ge [sflag:s25], $0x320  }
0x45: {  	[sflag:s25] =	ssyncset.done $0x0  }
0x46: {  	[sflag:s25] =	ssyncadd.s32 $0xFFFFFCE0  }
0x47: {  	[tilespmem:s26], [sflag:$0x5] =	stream.indirect.gather [hbm4b:s5+s22], $0x20, s1, s22, $0xb8;
	[tilespmem:$0x1DFA0] =	vst v63  }
0x48: {  	_ =	swait.ge [sflag:s28], $0x320  }
0x49: {  	[sflag:s28] =	ssyncset.done $0x0  }
0x4a: {  	[sflag:s28] =	ssyncadd.s32 $0xFFFFFCE0  }
0x4b: {  	[tilespmem:s29], [sflag:$0x6] =	stream.indirect.gather [hbm4b:s5+s22], $0x20, s22, s22, $0xb8;
	[tilespmem:$0x1DFA0] =	vst v63  }
0x4c: {  	_ =	swait.ge [sflag:s30], $0x320  }
0x4d: {  	[sflag:s30] =	ssyncset.done $0x0  }
0x4e: {  	s31 =	simm.s32 $0xD480;
	[sflag:s30] =	ssyncadd.s32 $0xFFFFFCE0  }
0x4f: {  	[tilespmem:s31], [sflag:$0x7] =	stream.indirect.gather [hbm4b:s5+s22], $0x20, s20, s22, $0xb8;
	[tilespmem:$0x1DFA0] =	vst v63  }
0x50: {  	_ =	swait.ge [sflag:s0], $0x320  }
0x51: {  	[sflag:s0] =	ssyncset.done $0x0  }
0x52: {  	s7 =	simm.s32 $0x0;
	s18 =	rddreg [dreg:$0xd];
	[sflag:s0] =	ssyncadd.s32 $0xFFFFFCE0  }
0x53: {  	[tilespmem:s2], [sflag:$0x8] =	stream.indirect.gather [hbm4b:s5+s22], $0x20, s24, s22, $0xb8;
	[tilespmem:$0x1DFA0] =	vst v63  }
.LBB2_2:
0x54: {  	_ =	swait.ge [sflag:s3], $0x6400  }
0x55: {  	[sflag:s3] =	ssyncset.done $0x0  }
0x56: {  	s19 =	sadd.s32 $0xFFFFFE80, s18;
	p0 =	seq.s32 s7, $0x3070;
	[sflag:s3] =	ssyncadd.s32 $0xFFFF9C00  }
0x57: {  	[spmem:s19] =	stream.indirect.scatter.add.f32 [tilespmem:s26], [sflag:$0x9], $0x20, s21, s22, $0xb8;
	[tilespmem:$0x1DFA0] =	vst v63  }
0x58: {  	s20 =	simm.s32 @!p0 $0x0;
	s19 =	sadd.s32 @!p0 s7, s17  }
0x59: {  	[tilespmem:s20], [sflag:$0x1] =	stream.linear.gather @!p0 [hbm4b:s19+s20], $0x320, $0x38;
	[tilespmem:$0x1DFA0] =	vst v63  }
0x5a: {  	_ =	swait.ge [sflag:s4], $0x6400  }
0x5b: {  	[sflag:s4] =	ssyncset.done $0x0  }
0x5c: {  	s31 =	sadd.s32 $0xFFFFFF00, s18;
	s19 =	simm.s32 @p0 $0x7;
	[sflag:s4] =	ssyncadd.s32 $0xFFFF9C00  }
0x5d: {  	[spmem:s31] =	stream.indirect.scatter.add.f32 [tilespmem:s29], [sflag:$0xA], $0x20, s21, s22, $0xb8;
	[tilespmem:$0x1DFA0] =	vst v63  }
0x5e: {  	_ =	swait.ge @p0 [sflag:s19], $0x6400  }
0x5f: {  	s6 =	simm.s32 @p0 $0x19C80;
	[sflag:s19] =	ssyncset.done @p0 $0x0  }
0x60: {  	s23 =	simm.s32 @p0 $0xD480;
	[sflag:s19] =	ssyncadd.s32 @p0 $0xFFFF9C00;
	s19 =	simm.s32 @p0 $0x320  }
0x61: {  	[spmem:s11] =	stream.indirect.scatter.add.f32 @p0 [tilespmem:s23], [sflag:$0xB], $0x20, s6, s19, $0xb8;
	[tilespmem:$0x1DFA0] =	vst v63  }
0x62: {  	s6 =	sadd.s32 @!p0 s7, s16;
	s19 =	simm.s32 @!p0 $0x320  }
0x63: {  	[tilespmem:s19], [sflag:$0x2] =	stream.linear.gather @!p0 [hbm4b:s6+s20], $0x320, $0x38;
	[tilespmem:$0x1DFA0] =	vst v63  }
0x64: {  	s6 =	simm.s32 @!p0 $0x7  }
0x65: {  	_ =	swait.ge @!p0 [sflag:s6], $0x6400  }
0x66: {  	s31 =	simm.s32 @!p0 $0xD480;
	[sflag:s6] =	ssyncset.done @!p0 $0x0  }
0x67: {  	s23 =	simm.s32 @!p0 $0x19C80;
	[sflag:s6] =	ssyncadd.s32 @!p0 $0xFFFF9C00;
	s6 =	sadd.s32 @!p0 $0xFFFFFF80, s18  }
0x68: {  	[spmem:s6] =	stream.indirect.scatter.add.f32 @!p0 [tilespmem:s31], [sflag:$0xB], $0x20, s23, s19, $0xb8;
	[tilespmem:$0x1DFA0] =	vst v63  }
0x69: {  	s6 =	sadd.s32 @!p0 s7, s15;
	s19 =	simm.s32 @!p0 $0x640  }
0x6a: {  	[tilespmem:s19], [sflag:$0x3] =	stream.linear.gather @!p0 [hbm4b:s6+s20], $0x320, $0x38;
	[tilespmem:$0x1DFA0] =	vst v63  }
.Ltmp2:
0x6b: {  	_ = 	snop;
	(pc) =	sbr.rel @p0 .LBB2_4-.Ltmp2, $4  }
0x6c: {  	_ =	swait.ge [sflag:s8], $0x6400  }
0x6d: {  	[sflag:s8] =	ssyncset.done $0x0  }
0x6e: {  	[sflag:s8] =	ssyncadd.s32 $0xFFFF9C00  }
0x6f: {  	[spmem:s18] =	stream.indirect.scatter.add.f32 [tilespmem:s2], [sflag:$0xC], $0x20, s21, s22, $0xb8;
	[tilespmem:$0x1DFA0] =	vst v63  }
0x70: {  	s6 =	sadd.s32 s7, s14  }
0x71: {  	[tilespmem:s24], [sflag:$0x4] =	stream.linear.gather [hbm4b:s6+s1], $0x320, $0x38;
	[tilespmem:$0x1DFA0] =	vst v63  }
0x72: {  	_ =	swait.ge [sflag:s9], $0x6400  }
0x73: {  	[sflag:s9] =	ssyncset.done $0x0  }
0x74: {  	[sflag:s9] =	ssyncadd.s32 $0xFFFF9C00  }
0x75: {  	_ =	swait.ge [sflag:s25], $0x320  }
0x76: {  	[sflag:s25] =	ssyncset.done $0x0  }
0x77: {  	[sflag:s25] =	ssyncadd.s32 $0xFFFFFCE0  }
0x78: {  	[tilespmem:s26], [sflag:$0x5] =	stream.indirect.gather [hbm4b:s5+s22], $0x20, s1, s22, $0xb8;
	[tilespmem:$0x1DFA0] =	vst v63  }
0x79: {  	_ =	swait.ge [sflag:s10], $0x6400  }
0x7a: {  	[sflag:s10] =	ssyncset.done $0x0  }
0x7b: {  	[sflag:s10] =	ssyncadd.s32 $0xFFFF9C00  }
0x7c: {  	_ =	swait.ge [sflag:s28], $0x320  }
0x7d: {  	[sflag:s28] =	ssyncset.done $0x0  }
0x7e: {  	[sflag:s28] =	ssyncadd.s32 $0xFFFFFCE0  }
0x7f: {  	[tilespmem:s29], [sflag:$0x6] =	stream.indirect.gather [hbm4b:s5+s22], $0x20, s22, s22, $0xb8;
	[tilespmem:$0x1DFA0] =	vst v63  }
0x80: {  	_ =	swait.ge [sflag:s12], $0x6400  }
0x81: {  	[sflag:s12] =	ssyncset.done $0x0  }
0x82: {  	[sflag:s12] =	ssyncadd.s32 $0xFFFF9C00  }
0x83: {  	_ =	swait.ge [sflag:s30], $0x320  }
0x84: {  	[sflag:s30] =	ssyncset.done $0x0  }
0x85: {  	s31 =	simm.s32 $0x640;
	s19 =	simm.s32 $0xD480;
	[sflag:s30] =	ssyncadd.s32 $0xFFFFFCE0  }
0x86: {  	[tilespmem:s19], [sflag:$0x7] =	stream.indirect.gather [hbm4b:s5+s22], $0x20, s31, s22, $0xb8;
	[tilespmem:$0x1DFA0] =	vst v63  }
0x87: {  	_ =	swait.ge [sflag:s13], $0x6400  }
0x88: {  	[sflag:s13] =	ssyncset.done $0x0  }
.Ltmp3:
0x89: {  	[sflag:s13] =	ssyncadd.s32 $0xFFFF9C00;
	(pc) =	sbr.rel .LBB2_2-.Ltmp3, $4  }
0x8a: {  	_ =	swait.ge [sflag:s0], $0x320  }
0x8b: {  	[sflag:s0] =	ssyncset.done $0x0  }
0x8c: {  	s7 =	sadd.s32 $0x190, s7;
	s18 =	sadd.s32 $0x200, s18;
	[sflag:s0] =	ssyncadd.s32 $0xFFFFFCE0  }
0x8d: {  	[tilespmem:s2], [sflag:$0x8] =	stream.indirect.gather [hbm4b:s5+s22], $0x20, s24, s22, $0xb8;
	[tilespmem:$0x1DFA0] =	vst v63  }
.LBB2_5:
0x8e: {  	_ =	sfence.sel $0x180000  }
0x8f: {  	[bflag:$0x0] =	sbarrier.arrive $0xFFFF  }
0x90: {  	_ =	strace $0x90000047  }
0x91: {  	s0 =	stileid.u32;
	[bflag:$0x2] =	sbarrier.arrive $0xFFFF  }
0x92: {  	p0 =	sne.s32 s0, $0x0;
	s0 =	rddreg [dreg:$0x3]  }
0x93: {  	s0 =	sadd.s32 @!p0 $0x100000, s0  }
0x94: {  	[sflag:s0] =	ssyncadd.tile.s32 @!p0 $0x1;
	_ =	shalt  }
.Lfunc_end2:
_tile_overlayer_lowered:
.L_overlay_start_2:
0x95: {  	(tag) =	ssettag $0x2  }
0x96: {  	s0 =	rddreg [dreg:$0x0];
	s2 =	stileid.u32  }
0x97: {  	s1 =	rddreg [dreg:$0x1];
	p0 =	sne.s32 s2, $0x0  }
0x98: {  	s3 =	rddreg [dreg:$0x2];
	[bflag:$0x3] =	sbarrier.arrive $0xFFFF;
	s2 =	simm.s32 @!p0 $0x1C0D  }
0x99: {  	[timem:s3], [sflag:s2] =	dma.local @!p0 [hbm:s0], s1  }
0x9a: {  	s0 =	simm.s32 @!p0 $0xD  }
0x9b: {  	_ =	swait.ge @!p0 [sflag:s0], s1  }
0x9c: {  	s1 =	ssub.s32 @!p0 $0x0, s1;
	[sflag:s0] =	ssyncset.done @!p0 $0x0  }
0x9d: {  	[sflag:s0] =	ssyncadd.s32 @!p0 s1  }
0x9e: {  	[bflag:$0x3] =	sbarrier.arrive $0xFFFF  }
0x9f: {  	_ =	shalt  }

</sc_bundles>
